<compile_context>
chip_gen: v7x
topology: tpu7x:2x2x1
jax: 0.10.2.dev20260603
libtpu: 0.0.44.dev20260713+nightly
codegen_flags: <defaults>
</compile_context>

<pallas_src>
import functools

import jax
import jax.numpy as jnp
from jax import lax
from jax.experimental import pallas as pl
from jax.experimental.pallas import tpu as pltpu
from jax.experimental.pallas import tpu_sc as plsc

NUM_EMB = 8192
DIM = 64
N_TOK = 16384
TM = 128

NC = 2
NS = 16
NW = NC * NS
B_PER_W = N_TOK // NW
IDX_CHUNK = 128
N_CHUNK = B_PER_W // IDX_CHUNK


def _dist_argmin_body(x_ref, et_ref, rowsum_ref, colsum_ref, idx_ref, dmin_ref):
    x = x_ref[...].astype(jnp.bfloat16)
    et = et_ref[...]
    mm = lax.dot_general(x, et, (((1,), (0,)), ((), ())),
                         preferred_element_type=jnp.float32)
    d = (rowsum_ref[...] + colsum_ref[...]) - 2.0 * mm
    half = NUM_EMB // 2
    d1 = d[:, :half]
    d2 = d[:, half:]
    iota = lax.broadcasted_iota(jnp.int32, (TM, half), 1)
    m1 = jnp.min(d1, axis=1, keepdims=True)
    i1 = jnp.min(jnp.where(d1 == m1, iota, half), axis=1, keepdims=True)
    m2 = jnp.min(d2, axis=1, keepdims=True)
    i2 = jnp.min(jnp.where(d2 == m2, iota, half), axis=1, keepdims=True) + half
    m1b = m1.astype(jnp.bfloat16).astype(jnp.float32)
    pick2 = m2 < m1b
    idx_ref[...] = jnp.where(pick2, i2, i1)
    dmin_ref[...] = jnp.where(pick2, m2, m1)


def _dist_argmin(flat, e_t, rowsum, colsum):
    nb = N_TOK // TM
    return pl.pallas_call(
        _dist_argmin_body,
        grid=(nb,),
        in_specs=[
            pl.BlockSpec((TM, DIM), lambda i: (i, 0)),
            pl.BlockSpec((DIM, NUM_EMB), lambda i: (0, 0)),
            pl.BlockSpec((TM, 1), lambda i: (i, 0)),
            pl.BlockSpec((1, NUM_EMB), lambda i: (0, 0)),
        ],
        out_specs=[
            pl.BlockSpec((TM, 1), lambda i: (i, 0)),
            pl.BlockSpec((TM, 1), lambda i: (i, 0)),
        ],
        out_shape=[
            jax.ShapeDtypeStruct((N_TOK, 1), jnp.int32),
            jax.ShapeDtypeStruct((N_TOK, 1), jnp.float32),
        ],
    )(flat, e_t, rowsum, colsum)


def _sc_gather_body(table_hbm, idx_hbm, x_hbm, dmin_hbm, out_hbm, partial_hbm,
                    idx_v, rows_v, x_v, dmin_v, acc_v, sem0, sem1):
    wid = lax.axis_index("s") * NC + lax.axis_index("c")
    base = wid * B_PER_W
    sems = (sem0, sem1)

    pltpu.sync_copy(idx_hbm.at[wid], idx_v)
    pltpu.sync_copy(x_hbm.at[pl.ds(base, B_PER_W)], x_v)
    pltpu.sync_copy(dmin_hbm.at[wid], dmin_v)

    def gather(j):
        return pltpu.async_copy(table_hbm.at[idx_v.at[j]],
                                rows_v.at[j % 2], sems[j % 2])

    cp = gather(0)
    for j in range(N_CHUNK):
        nxt = gather(j + 1) if j + 1 < N_CHUNK else None
        cp.wait()

        def row_body(r, carry, j=j):
            for c in range(DIM // 16):
                s = pl.ds(c * 16, 16)
                q = rows_v[j % 2, r, s]
                xx = x_v[j * IDX_CHUNK + r, s]
                x_v[j * IDX_CHUNK + r, s] = xx + (q - xx)
            return carry

        lax.fori_loop(0, IDX_CHUNK, row_body, 0, unroll=False)
        cp = nxt

    pltpu.sync_copy(x_v, out_hbm.at[pl.ds(base, B_PER_W)])

    def sum_body(k, acc):
        return acc + dmin_v[pl.ds(k * 16, 16)]

    acc = lax.fori_loop(0, B_PER_W // 16, sum_body,
                        jnp.zeros((16,), jnp.float32), unroll=False)
    acc_v[...] = acc
    pltpu.sync_copy(acc_v, partial_hbm.at[wid])


@functools.partial(jax.jit, static_argnums=())
def _sc_gather(embeddings, idx_flat, flat, dmin_flat):
    mesh = plsc.VectorSubcoreMesh(core_axis_name="c", subcore_axis_name="s")
    f = pl.kernel(
        _sc_gather_body,
        mesh=mesh,
        out_type=[
            jax.ShapeDtypeStruct((N_TOK, DIM), jnp.float32),
            jax.ShapeDtypeStruct((NW, 16), jnp.float32),
        ],
        scratch_types=[
            pltpu.VMEM((N_CHUNK, IDX_CHUNK), jnp.int32),
            pltpu.VMEM((2, IDX_CHUNK, 128), jnp.float32),
            pltpu.VMEM((B_PER_W, DIM), jnp.float32),
            pltpu.VMEM((B_PER_W,), jnp.float32),
            pltpu.VMEM((16,), jnp.float32),
            pltpu.SemaphoreType.DMA,
            pltpu.SemaphoreType.DMA,
        ],
    )
    table = jnp.pad(embeddings, ((0, 0), (0, 128 - DIM)))
    idx3 = idx_flat.reshape(NW, N_CHUNK, IDX_CHUNK)
    dmin2 = dmin_flat.reshape(NW, B_PER_W)
    return f(table, idx3, flat, dmin2)


def kernel(inputs, embeddings):
    flat = inputs.reshape(N_TOK, DIM)
    e_t = embeddings.T
    rowsum = jnp.sum(flat ** 2, axis=1, keepdims=True)
    colsum = jnp.sum(embeddings ** 2, axis=1)[None, :]

    idx2d, dmin2d = _dist_argmin(flat, e_t, rowsum, colsum)

    out_st, partials = _sc_gather(embeddings, idx2d.reshape(N_TOK),
                                  flat, dmin2d.reshape(N_TOK))

    m = jnp.sum(partials) / (N_TOK * DIM)
    loss = m + 0.25 * m
    quantized = out_st.reshape(inputs.shape)
    return (loss, quantized, idx2d)

# --- scband reference (transcript-rebuilt; emitter-appended) ---
"""Pipeline reference for scband-vector-quantizer-39573828666280 (READ-ONLY COPY).

The authoritative reference and input builder live on the scoring server;
editing this copy changes nothing except your own understanding.
"""

import jax, jax.numpy as jnp
import numpy as np

NUM_EMBEDDINGS = 8192
EMBEDDING_DIM = 64
COMMITMENT_COST = 0.25


def setup_inputs(seed: int = 0) -> dict:
    key = jax.random.key(seed)
    k_in, k_emb = jax.random.split(key)
    inputs = jax.random.normal(k_in, (16, 1024, 64), dtype=jnp.float32)
    # nn.Embedding weight initialized uniform(-1/K, 1/K)
    embeddings = jax.random.uniform(
        k_emb, (NUM_EMBEDDINGS, EMBEDDING_DIM), dtype=jnp.float32,
        minval=-1.0 / NUM_EMBEDDINGS, maxval=1.0 / NUM_EMBEDDINGS)
    return {"inputs": inputs, "embeddings": embeddings}


def reference(inputs, embeddings):
    flat_input = inputs.reshape(-1, EMBEDDING_DIM)
    distances = (jnp.sum(flat_input ** 2, axis=1, keepdims=True)
                 + jnp.sum(embeddings ** 2, axis=1)
                 - 2.0 * jnp.matmul(flat_input, embeddings.T))
    encoding_indices = jnp.argmin(distances, axis=1)[:, None]
    quantized = jnp.take(embeddings, encoding_indices[:, 0], axis=0).reshape(inputs.shape)
    e_latent_loss = jnp.mean((jax.lax.stop_gradient(quantized) - inputs) ** 2)
    q_latent_loss = jnp.mean((quantized - jax.lax.stop_gradient(inputs)) ** 2)
    loss = q_latent_loss + COMMITMENT_COST * e_latent_loss
    quantized = inputs + jax.lax.stop_gradient(quantized - inputs)
    return (loss, quantized, encoding_indices)

if __name__ == "__main__":
    import jax
    _d = setup_inputs()
    print(jax.jit(kernel)(*tuple(_d.values())))

</pallas_src>

<mosaic_0001>
#map = affine_map<(d0, d1) -> (0, 0)>
#map1 = affine_map<(d0, d1) -> (0, 0, 0)>
module attributes {stable_mosaic.version = 14 : i64} {
  func.func @_sc_gather_body(%arg0: i32, %arg1: i32, %arg2: memref<8192x128xf32, #tpu.memory_space<hbm>>, %arg3: memref<32x4x128xi32, #tpu.memory_space<hbm>>, %arg4: memref<16384x64xf32, #tpu.memory_space<hbm>>, %arg5: memref<32x512xf32, #tpu.memory_space<hbm>>, %arg6: memref<16384x64xf32, #tpu.memory_space<hbm>>, %arg7: memref<32x16xf32, #tpu.memory_space<hbm>>, %arg8: memref<4x128xi32, #tpu.memory_space<vmem>>, %arg9: memref<2x128x128xf32, #tpu.memory_space<vmem>>, %arg10: memref<512x64xf32, #tpu.memory_space<vmem>>, %arg11: memref<512xf32, #tpu.memory_space<vmem>>, %arg12: memref<16xf32, #tpu.memory_space<vmem>>, %arg13: memref<!tpu.dma_semaphore, #tpu.memory_space<semaphore_mem>>, %arg14: memref<!tpu.dma_semaphore, #tpu.memory_space<semaphore_mem>>) attributes {dimension_semantics = [#tpu.dimension_semantics<core_parallel>, #tpu.dimension_semantics<subcore_parallel>], iteration_bounds = array<i64: 2, 16>, scalar_prefetch = 0 : i64, scratch_operands = 7 : i64, tpu.core_type = #tpu.core_type<sc_vector_subcore>, window_params = [{transform_indices = #map}, {transform_indices = #map1}, {transform_indices = #map}, {transform_indices = #map}, {transform_indices = #map}, {transform_indices = #map}]} {
    %mul3A = arith.constant 2 : i32
    %mul3A_0 = arith.muli %arg1, %mul3A : i32
    %add3A = arith.addi %mul3A_0, %arg0 : i32
    %mul3A_1 = arith.constant 512 : i32
    %mul3A_2 = arith.muli %add3A, %mul3A_1 : i32
    "tpu.region"() ({
      %run_scoped3A = tpu.sem_alloc : memref<!tpu.dma_semaphore, #tpu.memory_space<semaphore_mem>>
      %dma_start3A_130 = arith.constant 0 : i32
      %dma_start3A_131 = arith.constant 0 : i32
      %dma_start3A_132 = tpu.memref_slice %arg3[%add3A, %dma_start3A_130, %dma_start3A_131] : memref<32x4x128xi32, #tpu.memory_space<hbm>> -> memref<1x4x128xi32, #tpu.memory_space<hbm>>
      %dma_start3A_133 = tpu.memref_squeeze %dma_start3A_132 : memref<1x4x128xi32, #tpu.memory_space<hbm>> -> memref<4x128xi32, #tpu.memory_space<hbm>>
      %dma_start3A_134 = arith.constant 0 : i32
      %dma_start3A_135 = arith.constant 0 : i32
      %dma_start3A_136 = tpu.memref_slice %arg3[%add3A, %dma_start3A_134, %dma_start3A_135] : memref<32x4x128xi32, #tpu.memory_space<hbm>> -> memref<1x4x128xi32, #tpu.memory_space<hbm>>
      %dma_start3A_137 = tpu.memref_squeeze %dma_start3A_136 : memref<1x4x128xi32, #tpu.memory_space<hbm>> -> memref<4x128xi32, #tpu.memory_space<hbm>>
      tpu.enqueue_dma source(%dma_start3A_137 : memref<4x128xi32, #tpu.memory_space<hbm>>) target(%arg8 : memref<4x128xi32, #tpu.memory_space<vmem>>) target_semaphore(%run_scoped3A : memref<!tpu.dma_semaphore, #tpu.memory_space<semaphore_mem>>)
      %dma_wait3A_138 = arith.constant 0 : i32
      %dma_wait3A_139 = arith.constant 0 : i32
      %dma_wait3A_140 = tpu.memref_slice %arg3[%add3A, %dma_wait3A_138, %dma_wait3A_139] : memref<32x4x128xi32, #tpu.memory_space<hbm>> -> memref<1x4x128xi32, #tpu.memory_space<hbm>>
      %dma_wait3A_141 = tpu.memref_squeeze %dma_wait3A_140 : memref<1x4x128xi32, #tpu.memory_space<hbm>> -> memref<4x128xi32, #tpu.memory_space<hbm>>
      %dma_wait3A_142 = arith.constant 0 : i32
      %dma_wait3A_143 = arith.constant 0 : i32
      %dma_wait3A_144 = tpu.memref_slice %arg3[%add3A, %dma_wait3A_142, %dma_wait3A_143] : memref<32x4x128xi32, #tpu.memory_space<hbm>> -> memref<1x4x128xi32, #tpu.memory_space<hbm>>
      %dma_wait3A_145 = tpu.memref_squeeze %dma_wait3A_144 : memref<1x4x128xi32, #tpu.memory_space<hbm>> -> memref<4x128xi32, #tpu.memory_space<hbm>>
      tpu.wait_dma2 semaphore(%run_scoped3A : memref<!tpu.dma_semaphore, #tpu.memory_space<semaphore_mem>>) src(%dma_wait3A_145 : memref<4x128xi32, #tpu.memory_space<hbm>>) dst(%arg8 : memref<4x128xi32, #tpu.memory_space<vmem>>)
      tpu.yield
    }) : () -> ()
    "tpu.region"() ({
      %run_scoped3A = tpu.sem_alloc : memref<!tpu.dma_semaphore, #tpu.memory_space<semaphore_mem>>
      %dma_start3A_130 = arith.constant 0 : i32
      %dma_start3A_131 = tpu.memref_slice %arg4[%mul3A_2, %dma_start3A_130] : memref<16384x64xf32, #tpu.memory_space<hbm>> -> memref<512x64xf32, #tpu.memory_space<hbm>>
      %dma_start3A_132 = arith.constant 0 : i32
      %dma_start3A_133 = tpu.memref_slice %arg4[%mul3A_2, %dma_start3A_132] : memref<16384x64xf32, #tpu.memory_space<hbm>> -> memref<512x64xf32, #tpu.memory_space<hbm>>
      tpu.enqueue_dma source(%dma_start3A_133 : memref<512x64xf32, #tpu.memory_space<hbm>>) target(%arg10 : memref<512x64xf32, #tpu.memory_space<vmem>>) target_semaphore(%run_scoped3A : memref<!tpu.dma_semaphore, #tpu.memory_space<semaphore_mem>>)
      %dma_wait3A_134 = arith.constant 0 : i32
      %dma_wait3A_135 = tpu.memref_slice %arg4[%mul3A_2, %dma_wait3A_134] : memref<16384x64xf32, #tpu.memory_space<hbm>> -> memref<512x64xf32, #tpu.memory_space<hbm>>
      %dma_wait3A_136 = arith.constant 0 : i32
      %dma_wait3A_137 = tpu.memref_slice %arg4[%mul3A_2, %dma_wait3A_136] : memref<16384x64xf32, #tpu.memory_space<hbm>> -> memref<512x64xf32, #tpu.memory_space<hbm>>
      tpu.wait_dma2 semaphore(%run_scoped3A : memref<!tpu.dma_semaphore, #tpu.memory_space<semaphore_mem>>) src(%dma_wait3A_137 : memref<512x64xf32, #tpu.memory_space<hbm>>) dst(%arg10 : memref<512x64xf32, #tpu.memory_space<vmem>>)
      tpu.yield
    }) : () -> ()
    "tpu.region"() ({
      %run_scoped3A = tpu.sem_alloc : memref<!tpu.dma_semaphore, #tpu.memory_space<semaphore_mem>>
      %dma_start3A_130 = arith.constant 0 : i32
      %dma_start3A_131 = tpu.memref_slice %arg5[%add3A, %dma_start3A_130] : memref<32x512xf32, #tpu.memory_space<hbm>> -> memref<1x512xf32, #tpu.memory_space<hbm>>
      %dma_start3A_132 = tpu.memref_squeeze %dma_start3A_131 : memref<1x512xf32, #tpu.memory_space<hbm>> -> memref<512xf32, #tpu.memory_space<hbm>>
      %dma_start3A_133 = arith.constant 0 : i32
      %dma_start3A_134 = tpu.memref_slice %arg5[%add3A, %dma_start3A_133] : memref<32x512xf32, #tpu.memory_space<hbm>> -> memref<1x512xf32, #tpu.memory_space<hbm>>
      %dma_start3A_135 = tpu.memref_squeeze %dma_start3A_134 : memref<1x512xf32, #tpu.memory_space<hbm>> -> memref<512xf32, #tpu.memory_space<hbm>>
      tpu.enqueue_dma source(%dma_start3A_135 : memref<512xf32, #tpu.memory_space<hbm>>) target(%arg11 : memref<512xf32, #tpu.memory_space<vmem>>) target_semaphore(%run_scoped3A : memref<!tpu.dma_semaphore, #tpu.memory_space<semaphore_mem>>)
      %dma_wait3A_136 = arith.constant 0 : i32
      %dma_wait3A_137 = tpu.memref_slice %arg5[%add3A, %dma_wait3A_136] : memref<32x512xf32, #tpu.memory_space<hbm>> -> memref<1x512xf32, #tpu.memory_space<hbm>>
      %dma_wait3A_138 = tpu.memref_squeeze %dma_wait3A_137 : memref<1x512xf32, #tpu.memory_space<hbm>> -> memref<512xf32, #tpu.memory_space<hbm>>
      %dma_wait3A_139 = arith.constant 0 : i32
      %dma_wait3A_140 = tpu.memref_slice %arg5[%add3A, %dma_wait3A_139] : memref<32x512xf32, #tpu.memory_space<hbm>> -> memref<1x512xf32, #tpu.memory_space<hbm>>
      %dma_wait3A_141 = tpu.memref_squeeze %dma_wait3A_140 : memref<1x512xf32, #tpu.memory_space<hbm>> -> memref<512xf32, #tpu.memory_space<hbm>>
      tpu.wait_dma2 semaphore(%run_scoped3A : memref<!tpu.dma_semaphore, #tpu.memory_space<semaphore_mem>>) src(%dma_wait3A_141 : memref<512xf32, #tpu.memory_space<hbm>>) dst(%arg11 : memref<512xf32, #tpu.memory_space<vmem>>)
      tpu.yield
    }) : () -> ()
    %dma_start3A = arith.constant 0 : i32
    %dma_start3A_3 = arith.constant 0 : i32
    %dma_start3A_4 = arith.constant 0 : i32
    %dma_start3A_5 = arith.constant 0 : i32
    %dma_start3A_6 = tpu.memref_slice %arg9[%dma_start3A_3, %dma_start3A_4, %dma_start3A_5] : memref<2x128x128xf32, #tpu.memory_space<vmem>> -> memref<1x128x128xf32, #tpu.memory_space<vmem>>
    %dma_start3A_7 = tpu.memref_squeeze %dma_start3A_6 : memref<1x128x128xf32, #tpu.memory_space<vmem>> -> memref<128x128xf32, #tpu.memory_space<vmem>>
    %dma_start3A_8 = arith.constant 0 : i32
    %dma_start3A_9 = tpu.memref_slice %arg8[%dma_start3A, %dma_start3A_8] : memref<4x128xi32, #tpu.memory_space<vmem>> -> memref<1x128xi32, #tpu.memory_space<vmem>>
    %dma_start3A_10 = tpu.memref_squeeze %dma_start3A_9 : memref<1x128xi32, #tpu.memory_space<vmem>> -> memref<128xi32, #tpu.memory_space<vmem>>
    %dma_start3A_11 = arith.constant 0 : i32
    %dma_start3A_12 = arith.constant 0 : i32
    %dma_start3A_13 = tpu.memref_slice %arg2[%dma_start3A_11, %dma_start3A_12] : memref<8192x128xf32, #tpu.memory_space<hbm>> -> memref<8192x128xf32, #tpu.memory_space<hbm>>
    tpu.enqueue_indirect_dma source(%dma_start3A_13 : memref<8192x128xf32, #tpu.memory_space<hbm>>) target(%dma_start3A_7 : memref<128x128xf32, #tpu.memory_space<vmem>>) offsets(%dma_start3A_10 : memref<128xi32, #tpu.memory_space<vmem>>) semaphore(%arg13 : memref<!tpu.dma_semaphore, #tpu.memory_space<semaphore_mem>>)
    %dma_start3A_14 = arith.constant 1 : i32
    %dma_start3A_15 = arith.constant 1 : i32
    %dma_start3A_16 = arith.constant 0 : i32
    %dma_start3A_17 = arith.constant 0 : i32
    %dma_start3A_18 = tpu.memref_slice %arg9[%dma_start3A_15, %dma_start3A_16, %dma_start3A_17] : memref<2x128x128xf32, #tpu.memory_space<vmem>> -> memref<1x128x128xf32, #tpu.memory_space<vmem>>
    %dma_start3A_19 = tpu.memref_squeeze %dma_start3A_18 : memref<1x128x128xf32, #tpu.memory_space<vmem>> -> memref<128x128xf32, #tpu.memory_space<vmem>>
    %dma_start3A_20 = arith.constant 0 : i32
    %dma_start3A_21 = tpu.memref_slice %arg8[%dma_start3A_14, %dma_start3A_20] : memref<4x128xi32, #tpu.memory_space<vmem>> -> memref<1x128xi32, #tpu.memory_space<vmem>>
    %dma_start3A_22 = tpu.memref_squeeze %dma_start3A_21 : memref<1x128xi32, #tpu.memory_space<vmem>> -> memref<128xi32, #tpu.memory_space<vmem>>
    %dma_start3A_23 = arith.constant 0 : i32
    %dma_start3A_24 = arith.constant 0 : i32
    %dma_start3A_25 = tpu.memref_slice %arg2[%dma_start3A_23, %dma_start3A_24] : memref<8192x128xf32, #tpu.memory_space<hbm>> -> memref<8192x128xf32, #tpu.memory_space<hbm>>
    tpu.enqueue_indirect_dma source(%dma_start3A_25 : memref<8192x128xf32, #tpu.memory_space<hbm>>) target(%dma_start3A_19 : memref<128x128xf32, #tpu.memory_space<vmem>>) offsets(%dma_start3A_22 : memref<128xi32, #tpu.memory_space<vmem>>) semaphore(%arg14 : memref<!tpu.dma_semaphore, #tpu.memory_space<semaphore_mem>>)
    %dma_wait3A = arith.constant 0 : i32
    %dma_wait3A_26 = arith.constant 0 : i32
    %dma_wait3A_27 = arith.constant 0 : i32
    %dma_wait3A_28 = arith.constant 0 : i32
    %dma_wait3A_29 = tpu.memref_slice %arg9[%dma_wait3A_26, %dma_wait3A_27, %dma_wait3A_28] : memref<2x128x128xf32, #tpu.memory_space<vmem>> -> memref<1x128x128xf32, #tpu.memory_space<vmem>>
    %dma_wait3A_30 = tpu.memref_squeeze %dma_wait3A_29 : memref<1x128x128xf32, #tpu.memory_space<vmem>> -> memref<128x128xf32, #tpu.memory_space<vmem>>
    %dma_wait3A_31 = arith.constant 0 : i32
    %dma_wait3A_32 = tpu.memref_slice %arg8[%dma_wait3A, %dma_wait3A_31] : memref<4x128xi32, #tpu.memory_space<vmem>> -> memref<1x128xi32, #tpu.memory_space<vmem>>
    %dma_wait3A_33 = tpu.memref_squeeze %dma_wait3A_32 : memref<1x128xi32, #tpu.memory_space<vmem>> -> memref<128xi32, #tpu.memory_space<vmem>>
    %dma_wait3A_34 = arith.constant 0 : i32
    %dma_wait3A_35 = arith.constant 0 : i32
    %dma_wait3A_36 = tpu.memref_slice %arg2[%dma_wait3A_34, %dma_wait3A_35] : memref<8192x128xf32, #tpu.memory_space<hbm>> -> memref<8192x128xf32, #tpu.memory_space<hbm>>
    tpu.wait_indirect_dma semaphore(%arg13 : memref<!tpu.dma_semaphore, #tpu.memory_space<semaphore_mem>>) src(%dma_wait3A_36 : memref<8192x128xf32, #tpu.memory_space<hbm>>) dst(%dma_wait3A_30 : memref<128x128xf32, #tpu.memory_space<vmem>>)
    %scan3A = arith.constant 0 : i32
    %scan3A_37 = arith.constant 0 : i32
    %scan3A_38 = arith.constant 128 : i32
    %scan3A_39 = arith.addi %scan3A_37, %scan3A_38 : i32
    %scan3A_40 = arith.constant 1 : i32
    scf.for %scan3A_130 = %scan3A_37 to %scan3A_39 step %scan3A_40  : i32 {
      %get3A = arith.constant 0 : i32
      %get3A_131 = arith.index_cast %get3A : i32 to index
      %get3A_132 = arith.index_cast %scan3A_130 : i32 to index
      %get3A_133 = arith.constant 0 : index
      %get3A_134 = tpu.vector_load %arg9[%get3A_131, %get3A_132, %get3A_133] {strides = array<i32>} : memref<2x128x128xf32, #tpu.memory_space<vmem>>, vector<1x1x16xf32>,
      %get3A_135 = vector.shape_cast %get3A_134 : vector<1x1x16xf32> to vector<16xf32>
      %add3A_136 = arith.constant 0 : i32
      %add3A_137 = arith.addi %add3A_136, %scan3A_130 : i32
      %get3A_138 = arith.index_cast %add3A_137 : i32 to index
      %get3A_139 = arith.constant 0 : index
      %get3A_140 = tpu.vector_load %arg10[%get3A_138, %get3A_139] {strides = array<i32>} : memref<512x64xf32, #tpu.memory_space<vmem>>, vector<1x16xf32>,
      %get3A_141 = vector.shape_cast %get3A_140 : vector<1x16xf32> to vector<16xf32>
      %sub3A = arith.subf %get3A_135, %get3A_141 : vector<16xf32>
      %add3A_142 = arith.addf %get3A_141, %sub3A : vector<16xf32>
      %add3A_143 = arith.constant 0 : i32
      %add3A_144 = arith.addi %add3A_143, %scan3A_130 : i32
      %swap3A_145 = arith.index_cast %add3A_144 : i32 to index
      %swap3A_146 = arith.constant 0 : index
      %swap3A_147 = tpu.vector_load %arg10[%swap3A_145, %swap3A_146] {strides = array<i32>} : memref<512x64xf32, #tpu.memory_space<vmem>>, vector<1x16xf32>,
      %swap3A_148 = vector.shape_cast %swap3A_147 : vector<1x16xf32> to vector<16xf32>
      %swap3A_149 = vector.shape_cast %add3A_142 : vector<16xf32> to vector<1x16xf32>
      tpu.vector_store %arg10[%swap3A_145, %swap3A_146], %swap3A_149 {strides = array<i32>} : memref<512x64xf32, #tpu.memory_space<vmem>>, vector<1x16xf32>,
      %get3A_150 = arith.constant 0 : i32
      %get3A_151 = arith.index_cast %get3A_150 : i32 to index
      %get3A_152 = arith.index_cast %scan3A_130 : i32 to index
      %get3A_153 = arith.constant 16 : index
      %get3A_154 = tpu.vector_load %arg9[%get3A_151, %get3A_152, %get3A_153] {strides = array<i32>} : memref<2x128x128xf32, #tpu.memory_space<vmem>>, vector<1x1x16xf32>,
      %get3A_155 = vector.shape_cast %get3A_154 : vector<1x1x16xf32> to vector<16xf32>
      %add3A_156 = arith.constant 0 : i32
      %add3A_157 = arith.addi %add3A_156, %scan3A_130 : i32
      %get3A_158 = arith.index_cast %add3A_157 : i32 to index
      %get3A_159 = arith.constant 16 : index
      %get3A_160 = tpu.vector_load %arg10[%get3A_158, %get3A_159] {strides = array<i32>} : memref<512x64xf32, #tpu.memory_space<vmem>>, vector<1x16xf32>,
      %get3A_161 = vector.shape_cast %get3A_160 : vector<1x16xf32> to vector<16xf32>
      %sub3A_162 = arith.subf %get3A_155, %get3A_161 : vector<16xf32>
      %add3A_163 = arith.addf %get3A_161, %sub3A_162 : vector<16xf32>
      %add3A_164 = arith.constant 0 : i32
      %add3A_165 = arith.addi %add3A_164, %scan3A_130 : i32
      %swap3A_166 = arith.index_cast %add3A_165 : i32 to index
      %swap3A_167 = arith.constant 16 : index
      %swap3A_168 = tpu.vector_load %arg10[%swap3A_166, %swap3A_167] {strides = array<i32>} : memref<512x64xf32, #tpu.memory_space<vmem>>, vector<1x16xf32>,
      %swap3A_169 = vector.shape_cast %swap3A_168 : vector<1x16xf32> to vector<16xf32>
      %swap3A_170 = vector.shape_cast %add3A_163 : vector<16xf32> to vector<1x16xf32>
      tpu.vector_store %arg10[%swap3A_166, %swap3A_167], %swap3A_170 {strides = array<i32>} : memref<512x64xf32, #tpu.memory_space<vmem>>, vector<1x16xf32>,
      %get3A_171 = arith.constant 0 : i32
      %get3A_172 = arith.index_cast %get3A_171 : i32 to index
      %get3A_173 = arith.index_cast %scan3A_130 : i32 to index
      %get3A_174 = arith.constant 32 : index
      %get3A_175 = tpu.vector_load %arg9[%get3A_172, %get3A_173, %get3A_174] {strides = array<i32>} : memref<2x128x128xf32, #tpu.memory_space<vmem>>, vector<1x1x16xf32>,
      %get3A_176 = vector.shape_cast %get3A_175 : vector<1x1x16xf32> to vector<16xf32>
      %add3A_177 = arith.constant 0 : i32
      %add3A_178 = arith.addi %add3A_177, %scan3A_130 : i32
      %get3A_179 = arith.index_cast %add3A_178 : i32 to index
      %get3A_180 = arith.constant 32 : index
      %get3A_181 = tpu.vector_load %arg10[%get3A_179, %get3A_180] {strides = array<i32>} : memref<512x64xf32, #tpu.memory_space<vmem>>, vector<1x16xf32>,
      %get3A_182 = vector.shape_cast %get3A_181 : vector<1x16xf32> to vector<16xf32>
      %sub3A_183 = arith.subf %get3A_176, %get3A_182 : vector<16xf32>
      %add3A_184 = arith.addf %get3A_182, %sub3A_183 : vector<16xf32>
      %add3A_185 = arith.constant 0 : i32
      %add3A_186 = arith.addi %add3A_185, %scan3A_130 : i32
      %swap3A_187 = arith.index_cast %add3A_186 : i32 to index
      %swap3A_188 = arith.constant 32 : index
      %swap3A_189 = tpu.vector_load %arg10[%swap3A_187, %swap3A_188] {strides = array<i32>} : memref<512x64xf32, #tpu.memory_space<vmem>>, vector<1x16xf32>,
      %swap3A_190 = vector.shape_cast %swap3A_189 : vector<1x16xf32> to vector<16xf32>
      %swap3A_191 = vector.shape_cast %add3A_184 : vector<16xf32> to vector<1x16xf32>
      tpu.vector_store %arg10[%swap3A_187, %swap3A_188], %swap3A_191 {strides = array<i32>} : memref<512x64xf32, #tpu.memory_space<vmem>>, vector<1x16xf32>,
      %get3A_192 = arith.constant 0 : i32
      %get3A_193 = arith.index_cast %get3A_192 : i32 to index
      %get3A_194 = arith.index_cast %scan3A_130 : i32 to index
      %get3A_195 = arith.constant 48 : index
      %get3A_196 = tpu.vector_load %arg9[%get3A_193, %get3A_194, %get3A_195] {strides = array<i32>} : memref<2x128x128xf32, #tpu.memory_space<vmem>>, vector<1x1x16xf32>,
      %get3A_197 = vector.shape_cast %get3A_196 : vector<1x1x16xf32> to vector<16xf32>
      %add3A_198 = arith.constant 0 : i32
      %add3A_199 = arith.addi %add3A_198, %scan3A_130 : i32
      %get3A_200 = arith.index_cast %add3A_199 : i32 to index
      %get3A_201 = arith.constant 48 : index
      %get3A_202 = tpu.vector_load %arg10[%get3A_200, %get3A_201] {strides = array<i32>} : memref<512x64xf32, #tpu.memory_space<vmem>>, vector<1x16xf32>,
      %get3A_203 = vector.shape_cast %get3A_202 : vector<1x16xf32> to vector<16xf32>
      %sub3A_204 = arith.subf %get3A_197, %get3A_203 : vector<16xf32>
      %add3A_205 = arith.addf %get3A_203, %sub3A_204 : vector<16xf32>
      %add3A_206 = arith.constant 0 : i32
      %add3A_207 = arith.addi %add3A_206, %scan3A_130 : i32
      %swap3A_208 = arith.index_cast %add3A_207 : i32 to index
      %swap3A_209 = arith.constant 48 : index
      %swap3A_210 = tpu.vector_load %arg10[%swap3A_208, %swap3A_209] {strides = array<i32>} : memref<512x64xf32, #tpu.memory_space<vmem>>, vector<1x16xf32>,
      %swap3A_211 = vector.shape_cast %swap3A_210 : vector<1x16xf32> to vector<16xf32>
      %swap3A_212 = vector.shape_cast %add3A_205 : vector<16xf32> to vector<1x16xf32>
      tpu.vector_store %arg10[%swap3A_208, %swap3A_209], %swap3A_212 {strides = array<i32>} : memref<512x64xf32, #tpu.memory_space<vmem>>, vector<1x16xf32>,
    }
    %scan3A_41 = arith.constant 128 : i32
    %dma_start3A_42 = arith.constant 2 : i32
    %dma_start3A_43 = arith.constant 0 : i32
    %dma_start3A_44 = arith.constant 0 : i32
    %dma_start3A_45 = arith.constant 0 : i32
    %dma_start3A_46 = tpu.memref_slice %arg9[%dma_start3A_43, %dma_start3A_44, %dma_start3A_45] : memref<2x128x128xf32, #tpu.memory_space<vmem>> -> memref<1x128x128xf32, #tpu.memory_space<vmem>>
    %dma_start3A_47 = tpu.memref_squeeze %dma_start3A_46 : memref<1x128x128xf32, #tpu.memory_space<vmem>> -> memref<128x128xf32, #tpu.memory_space<vmem>>
    %dma_start3A_48 = arith.constant 0 : i32
    %dma_start3A_49 = tpu.memref_slice %arg8[%dma_start3A_42, %dma_start3A_48] : memref<4x128xi32, #tpu.memory_space<vmem>> -> memref<1x128xi32, #tpu.memory_space<vmem>>
    %dma_start3A_50 = tpu.memref_squeeze %dma_start3A_49 : memref<1x128xi32, #tpu.memory_space<vmem>> -> memref<128xi32, #tpu.memory_space<vmem>>
    %dma_start3A_51 = arith.constant 0 : i32
    %dma_start3A_52 = arith.constant 0 : i32
    %dma_start3A_53 = tpu.memref_slice %arg2[%dma_start3A_51, %dma_start3A_52] : memref<8192x128xf32, #tpu.memory_space<hbm>> -> memref<8192x128xf32, #tpu.memory_space<hbm>>
    tpu.enqueue_indirect_dma source(%dma_start3A_53 : memref<8192x128xf32, #tpu.memory_space<hbm>>) target(%dma_start3A_47 : memref<128x128xf32, #tpu.memory_space<vmem>>) offsets(%dma_start3A_50 : memref<128xi32, #tpu.memory_space<vmem>>) semaphore(%arg13 : memref<!tpu.dma_semaphore, #tpu.memory_space<semaphore_mem>>)
    %dma_wait3A_54 = arith.constant 1 : i32
    %dma_wait3A_55 = arith.constant 1 : i32
    %dma_wait3A_56 = arith.constant 0 : i32
    %dma_wait3A_57 = arith.constant 0 : i32
    %dma_wait3A_58 = tpu.memref_slice %arg9[%dma_wait3A_55, %dma_wait3A_56, %dma_wait3A_57] : memref<2x128x128xf32, #tpu.memory_space<vmem>> -> memref<1x128x128xf32, #tpu.memory_space<vmem>>
    %dma_wait3A_59 = tpu.memref_squeeze %dma_wait3A_58 : memref<1x128x128xf32, #tpu.memory_space<vmem>> -> memref<128x128xf32, #tpu.memory_space<vmem>>
    %dma_wait3A_60 = arith.constant 0 : i32
    %dma_wait3A_61 = tpu.memref_slice %arg8[%dma_wait3A_54, %dma_wait3A_60] : memref<4x128xi32, #tpu.memory_space<vmem>> -> memref<1x128xi32, #tpu.memory_space<vmem>>
    %dma_wait3A_62 = tpu.memref_squeeze %dma_wait3A_61 : memref<1x128xi32, #tpu.memory_space<vmem>> -> memref<128xi32, #tpu.memory_space<vmem>>
    %dma_wait3A_63 = arith.constant 0 : i32
    %dma_wait3A_64 = arith.constant 0 : i32
    %dma_wait3A_65 = tpu.memref_slice %arg2[%dma_wait3A_63, %dma_wait3A_64] : memref<8192x128xf32, #tpu.memory_space<hbm>> -> memref<8192x128xf32, #tpu.memory_space<hbm>>
    tpu.wait_indirect_dma semaphore(%arg14 : memref<!tpu.dma_semaphore, #tpu.memory_space<semaphore_mem>>) src(%dma_wait3A_65 : memref<8192x128xf32, #tpu.memory_space<hbm>>) dst(%dma_wait3A_59 : memref<128x128xf32, #tpu.memory_space<vmem>>)
    %scan3A_66 = arith.constant 0 : i32
    %scan3A_67 = arith.constant 0 : i32
    %scan3A_68 = arith.constant 128 : i32
    %scan3A_69 = arith.addi %scan3A_67, %scan3A_68 : i32
    %scan3A_70 = arith.constant 1 : i32
    scf.for %scan3A_130 = %scan3A_67 to %scan3A_69 step %scan3A_70  : i32 {
      %get3A = arith.constant 1 : i32
      %get3A_131 = arith.index_cast %get3A : i32 to index
      %get3A_132 = arith.index_cast %scan3A_130 : i32 to index
      %get3A_133 = arith.constant 0 : index
      %get3A_134 = tpu.vector_load %arg9[%get3A_131, %get3A_132, %get3A_133] {strides = array<i32>} : memref<2x128x128xf32, #tpu.memory_space<vmem>>, vector<1x1x16xf32>,
      %get3A_135 = vector.shape_cast %get3A_134 : vector<1x1x16xf32> to vector<16xf32>
      %add3A_136 = arith.constant 128 : i32
      %add3A_137 = arith.addi %add3A_136, %scan3A_130 : i32
      %get3A_138 = arith.index_cast %add3A_137 : i32 to index
      %get3A_139 = arith.constant 0 : index
      %get3A_140 = tpu.vector_load %arg10[%get3A_138, %get3A_139] {strides = array<i32>} : memref<512x64xf32, #tpu.memory_space<vmem>>, vector<1x16xf32>,
      %get3A_141 = vector.shape_cast %get3A_140 : vector<1x16xf32> to vector<16xf32>
      %sub3A = arith.subf %get3A_135, %get3A_141 : vector<16xf32>
      %add3A_142 = arith.addf %get3A_141, %sub3A : vector<16xf32>
      %add3A_143 = arith.constant 128 : i32
      %add3A_144 = arith.addi %add3A_143, %scan3A_130 : i32
      %swap3A_145 = arith.index_cast %add3A_144 : i32 to index
      %swap3A_146 = arith.constant 0 : index
      %swap3A_147 = tpu.vector_load %arg10[%swap3A_145, %swap3A_146] {strides = array<i32>} : memref<512x64xf32, #tpu.memory_space<vmem>>, vector<1x16xf32>,
      %swap3A_148 = vector.shape_cast %swap3A_147 : vector<1x16xf32> to vector<16xf32>
      %swap3A_149 = vector.shape_cast %add3A_142 : vector<16xf32> to vector<1x16xf32>
      tpu.vector_store %arg10[%swap3A_145, %swap3A_146], %swap3A_149 {strides = array<i32>} : memref<512x64xf32, #tpu.memory_space<vmem>>, vector<1x16xf32>,
      %get3A_150 = arith.constant 1 : i32
      %get3A_151 = arith.index_cast %get3A_150 : i32 to index
      %get3A_152 = arith.index_cast %scan3A_130 : i32 to index
      %get3A_153 = arith.constant 16 : index
      %get3A_154 = tpu.vector_load %arg9[%get3A_151, %get3A_152, %get3A_153] {strides = array<i32>} : memref<2x128x128xf32, #tpu.memory_space<vmem>>, vector<1x1x16xf32>,
      %get3A_155 = vector.shape_cast %get3A_154 : vector<1x1x16xf32> to vector<16xf32>
      %add3A_156 = arith.constant 128 : i32
      %add3A_157 = arith.addi %add3A_156, %scan3A_130 : i32
      %get3A_158 = arith.index_cast %add3A_157 : i32 to index
      %get3A_159 = arith.constant 16 : index
      %get3A_160 = tpu.vector_load %arg10[%get3A_158, %get3A_159] {strides = array<i32>} : memref<512x64xf32, #tpu.memory_space<vmem>>, vector<1x16xf32>,
      %get3A_161 = vector.shape_cast %get3A_160 : vector<1x16xf32> to vector<16xf32>
      %sub3A_162 = arith.subf %get3A_155, %get3A_161 : vector<16xf32>
      %add3A_163 = arith.addf %get3A_161, %sub3A_162 : vector<16xf32>
      %add3A_164 = arith.constant 128 : i32
      %add3A_165 = arith.addi %add3A_164, %scan3A_130 : i32
      %swap3A_166 = arith.index_cast %add3A_165 : i32 to index
      %swap3A_167 = arith.constant 16 : index
      %swap3A_168 = tpu.vector_load %arg10[%swap3A_166, %swap3A_167] {strides = array<i32>} : memref<512x64xf32, #tpu.memory_space<vmem>>, vector<1x16xf32>,
      %swap3A_169 = vector.shape_cast %swap3A_168 : vector<1x16xf32> to vector<16xf32>
      %swap3A_170 = vector.shape_cast %add3A_163 : vector<16xf32> to vector<1x16xf32>
      tpu.vector_store %arg10[%swap3A_166, %swap3A_167], %swap3A_170 {strides = array<i32>} : memref<512x64xf32, #tpu.memory_space<vmem>>, vector<1x16xf32>,
      %get3A_171 = arith.constant 1 : i32
      %get3A_172 = arith.index_cast %get3A_171 : i32 to index
      %get3A_173 = arith.index_cast %scan3A_130 : i32 to index
      %get3A_174 = arith.constant 32 : index
      %get3A_175 = tpu.vector_load %arg9[%get3A_172, %get3A_173, %get3A_174] {strides = array<i32>} : memref<2x128x128xf32, #tpu.memory_space<vmem>>, vector<1x1x16xf32>,
      %get3A_176 = vector.shape_cast %get3A_175 : vector<1x1x16xf32> to vector<16xf32>
      %add3A_177 = arith.constant 128 : i32
      %add3A_178 = arith.addi %add3A_177, %scan3A_130 : i32
      %get3A_179 = arith.index_cast %add3A_178 : i32 to index
      %get3A_180 = arith.constant 32 : index
      %get3A_181 = tpu.vector_load %arg10[%get3A_179, %get3A_180] {strides = array<i32>} : memref<512x64xf32, #tpu.memory_space<vmem>>, vector<1x16xf32>,
      %get3A_182 = vector.shape_cast %get3A_181 : vector<1x16xf32> to vector<16xf32>
      %sub3A_183 = arith.subf %get3A_176, %get3A_182 : vector<16xf32>
      %add3A_184 = arith.addf %get3A_182, %sub3A_183 : vector<16xf32>
      %add3A_185 = arith.constant 128 : i32
      %add3A_186 = arith.addi %add3A_185, %scan3A_130 : i32
      %swap3A_187 = arith.index_cast %add3A_186 : i32 to index
      %swap3A_188 = arith.constant 32 : index
      %swap3A_189 = tpu.vector_load %arg10[%swap3A_187, %swap3A_188] {strides = array<i32>} : memref<512x64xf32, #tpu.memory_space<vmem>>, vector<1x16xf32>,
      %swap3A_190 = vector.shape_cast %swap3A_189 : vector<1x16xf32> to vector<16xf32>
      %swap3A_191 = vector.shape_cast %add3A_184 : vector<16xf32> to vector<1x16xf32>
      tpu.vector_store %arg10[%swap3A_187, %swap3A_188], %swap3A_191 {strides = array<i32>} : memref<512x64xf32, #tpu.memory_space<vmem>>, vector<1x16xf32>,
      %get3A_192 = arith.constant 1 : i32
      %get3A_193 = arith.index_cast %get3A_192 : i32 to index
      %get3A_194 = arith.index_cast %scan3A_130 : i32 to index
      %get3A_195 = arith.constant 48 : index
      %get3A_196 = tpu.vector_load %arg9[%get3A_193, %get3A_194, %get3A_195] {strides = array<i32>} : memref<2x128x128xf32, #tpu.memory_space<vmem>>, vector<1x1x16xf32>,
      %get3A_197 = vector.shape_cast %get3A_196 : vector<1x1x16xf32> to vector<16xf32>
      %add3A_198 = arith.constant 128 : i32
      %add3A_199 = arith.addi %add3A_198, %scan3A_130 : i32
      %get3A_200 = arith.index_cast %add3A_199 : i32 to index
      %get3A_201 = arith.constant 48 : index
      %get3A_202 = tpu.vector_load %arg10[%get3A_200, %get3A_201] {strides = array<i32>} : memref<512x64xf32, #tpu.memory_space<vmem>>, vector<1x16xf32>,
      %get3A_203 = vector.shape_cast %get3A_202 : vector<1x16xf32> to vector<16xf32>
      %sub3A_204 = arith.subf %get3A_197, %get3A_203 : vector<16xf32>
      %add3A_205 = arith.addf %get3A_203, %sub3A_204 : vector<16xf32>
      %add3A_206 = arith.constant 128 : i32
      %add3A_207 = arith.addi %add3A_206, %scan3A_130 : i32
      %swap3A_208 = arith.index_cast %add3A_207 : i32 to index
      %swap3A_209 = arith.constant 48 : index
      %swap3A_210 = tpu.vector_load %arg10[%swap3A_208, %swap3A_209] {strides = array<i32>} : memref<512x64xf32, #tpu.memory_space<vmem>>, vector<1x16xf32>,
      %swap3A_211 = vector.shape_cast %swap3A_210 : vector<1x16xf32> to vector<16xf32>
      %swap3A_212 = vector.shape_cast %add3A_205 : vector<16xf32> to vector<1x16xf32>
      tpu.vector_store %arg10[%swap3A_208, %swap3A_209], %swap3A_212 {strides = array<i32>} : memref<512x64xf32, #tpu.memory_space<vmem>>, vector<1x16xf32>,
    }
    %scan3A_71 = arith.constant 128 : i32
    %dma_start3A_72 = arith.constant 3 : i32
    %dma_start3A_73 = arith.constant 1 : i32
    %dma_start3A_74 = arith.constant 0 : i32
    %dma_start3A_75 = arith.constant 0 : i32
    %dma_start3A_76 = tpu.memref_slice %arg9[%dma_start3A_73, %dma_start3A_74, %dma_start3A_75] : memref<2x128x128xf32, #tpu.memory_space<vmem>> -> memref<1x128x128xf32, #tpu.memory_space<vmem>>
    %dma_start3A_77 = tpu.memref_squeeze %dma_start3A_76 : memref<1x128x128xf32, #tpu.memory_space<vmem>> -> memref<128x128xf32, #tpu.memory_space<vmem>>
    %dma_start3A_78 = arith.constant 0 : i32
    %dma_start3A_79 = tpu.memref_slice %arg8[%dma_start3A_72, %dma_start3A_78] : memref<4x128xi32, #tpu.memory_space<vmem>> -> memref<1x128xi32, #tpu.memory_space<vmem>>
    %dma_start3A_80 = tpu.memref_squeeze %dma_start3A_79 : memref<1x128xi32, #tpu.memory_space<vmem>> -> memref<128xi32, #tpu.memory_space<vmem>>
    %dma_start3A_81 = arith.constant 0 : i32
    %dma_start3A_82 = arith.constant 0 : i32
    %dma_start3A_83 = tpu.memref_slice %arg2[%dma_start3A_81, %dma_start3A_82] : memref<8192x128xf32, #tpu.memory_space<hbm>> -> memref<8192x128xf32, #tpu.memory_space<hbm>>
    tpu.enqueue_indirect_dma source(%dma_start3A_83 : memref<8192x128xf32, #tpu.memory_space<hbm>>) target(%dma_start3A_77 : memref<128x128xf32, #tpu.memory_space<vmem>>) offsets(%dma_start3A_80 : memref<128xi32, #tpu.memory_space<vmem>>) semaphore(%arg14 : memref<!tpu.dma_semaphore, #tpu.memory_space<semaphore_mem>>)
    %dma_wait3A_84 = arith.constant 2 : i32
    %dma_wait3A_85 = arith.constant 0 : i32
    %dma_wait3A_86 = arith.constant 0 : i32
    %dma_wait3A_87 = arith.constant 0 : i32
    %dma_wait3A_88 = tpu.memref_slice %arg9[%dma_wait3A_85, %dma_wait3A_86, %dma_wait3A_87] : memref<2x128x128xf32, #tpu.memory_space<vmem>> -> memref<1x128x128xf32, #tpu.memory_space<vmem>>
    %dma_wait3A_89 = tpu.memref_squeeze %dma_wait3A_88 : memref<1x128x128xf32, #tpu.memory_space<vmem>> -> memref<128x128xf32, #tpu.memory_space<vmem>>
    %dma_wait3A_90 = arith.constant 0 : i32
    %dma_wait3A_91 = tpu.memref_slice %arg8[%dma_wait3A_84, %dma_wait3A_90] : memref<4x128xi32, #tpu.memory_space<vmem>> -> memref<1x128xi32, #tpu.memory_space<vmem>>
    %dma_wait3A_92 = tpu.memref_squeeze %dma_wait3A_91 : memref<1x128xi32, #tpu.memory_space<vmem>> -> memref<128xi32, #tpu.memory_space<vmem>>
    %dma_wait3A_93 = arith.constant 0 : i32
    %dma_wait3A_94 = arith.constant 0 : i32
    %dma_wait3A_95 = tpu.memref_slice %arg2[%dma_wait3A_93, %dma_wait3A_94] : memref<8192x128xf32, #tpu.memory_space<hbm>> -> memref<8192x128xf32, #tpu.memory_space<hbm>>
    tpu.wait_indirect_dma semaphore(%arg13 : memref<!tpu.dma_semaphore, #tpu.memory_space<semaphore_mem>>) src(%dma_wait3A_95 : memref<8192x128xf32, #tpu.memory_space<hbm>>) dst(%dma_wait3A_89 : memref<128x128xf32, #tpu.memory_space<vmem>>)
    %scan3A_96 = arith.constant 0 : i32
    %scan3A_97 = arith.constant 0 : i32
    %scan3A_98 = arith.constant 128 : i32
    %scan3A_99 = arith.addi %scan3A_97, %scan3A_98 : i32
    %scan3A_100 = arith.constant 1 : i32
    scf.for %scan3A_130 = %scan3A_97 to %scan3A_99 step %scan3A_100  : i32 {
      %get3A = arith.constant 0 : i32
      %get3A_131 = arith.index_cast %get3A : i32 to index
      %get3A_132 = arith.index_cast %scan3A_130 : i32 to index
      %get3A_133 = arith.constant 0 : index
      %get3A_134 = tpu.vector_load %arg9[%get3A_131, %get3A_132, %get3A_133] {strides = array<i32>} : memref<2x128x128xf32, #tpu.memory_space<vmem>>, vector<1x1x16xf32>,
      %get3A_135 = vector.shape_cast %get3A_134 : vector<1x1x16xf32> to vector<16xf32>
      %add3A_136 = arith.constant 256 : i32
      %add3A_137 = arith.addi %add3A_136, %scan3A_130 : i32
      %get3A_138 = arith.index_cast %add3A_137 : i32 to index
      %get3A_139 = arith.constant 0 : index
      %get3A_140 = tpu.vector_load %arg10[%get3A_138, %get3A_139] {strides = array<i32>} : memref<512x64xf32, #tpu.memory_space<vmem>>, vector<1x16xf32>,
      %get3A_141 = vector.shape_cast %get3A_140 : vector<1x16xf32> to vector<16xf32>
      %sub3A = arith.subf %get3A_135, %get3A_141 : vector<16xf32>
      %add3A_142 = arith.addf %get3A_141, %sub3A : vector<16xf32>
      %add3A_143 = arith.constant 256 : i32
      %add3A_144 = arith.addi %add3A_143, %scan3A_130 : i32
      %swap3A_145 = arith.index_cast %add3A_144 : i32 to index
      %swap3A_146 = arith.constant 0 : index
      %swap3A_147 = tpu.vector_load %arg10[%swap3A_145, %swap3A_146] {strides = array<i32>} : memref<512x64xf32, #tpu.memory_space<vmem>>, vector<1x16xf32>,
      %swap3A_148 = vector.shape_cast %swap3A_147 : vector<1x16xf32> to vector<16xf32>
      %swap3A_149 = vector.shape_cast %add3A_142 : vector<16xf32> to vector<1x16xf32>
      tpu.vector_store %arg10[%swap3A_145, %swap3A_146], %swap3A_149 {strides = array<i32>} : memref<512x64xf32, #tpu.memory_space<vmem>>, vector<1x16xf32>,
      %get3A_150 = arith.constant 0 : i32
      %get3A_151 = arith.index_cast %get3A_150 : i32 to index
      %get3A_152 = arith.index_cast %scan3A_130 : i32 to index
      %get3A_153 = arith.constant 16 : index
      %get3A_154 = tpu.vector_load %arg9[%get3A_151, %get3A_152, %get3A_153] {strides = array<i32>} : memref<2x128x128xf32, #tpu.memory_space<vmem>>, vector<1x1x16xf32>,
      %get3A_155 = vector.shape_cast %get3A_154 : vector<1x1x16xf32> to vector<16xf32>
      %add3A_156 = arith.constant 256 : i32
      %add3A_157 = arith.addi %add3A_156, %scan3A_130 : i32
      %get3A_158 = arith.index_cast %add3A_157 : i32 to index
      %get3A_159 = arith.constant 16 : index
      %get3A_160 = tpu.vector_load %arg10[%get3A_158, %get3A_159] {strides = array<i32>} : memref<512x64xf32, #tpu.memory_space<vmem>>, vector<1x16xf32>,
      %get3A_161 = vector.shape_cast %get3A_160 : vector<1x16xf32> to vector<16xf32>
      %sub3A_162 = arith.subf %get3A_155, %get3A_161 : vector<16xf32>
      %add3A_163 = arith.addf %get3A_161, %sub3A_162 : vector<16xf32>
      %add3A_164 = arith.constant 256 : i32
      %add3A_165 = arith.addi %add3A_164, %scan3A_130 : i32
      %swap3A_166 = arith.index_cast %add3A_165 : i32 to index
      %swap3A_167 = arith.constant 16 : index
      %swap3A_168 = tpu.vector_load %arg10[%swap3A_166, %swap3A_167] {strides = array<i32>} : memref<512x64xf32, #tpu.memory_space<vmem>>, vector<1x16xf32>,
      %swap3A_169 = vector.shape_cast %swap3A_168 : vector<1x16xf32> to vector<16xf32>
      %swap3A_170 = vector.shape_cast %add3A_163 : vector<16xf32> to vector<1x16xf32>
      tpu.vector_store %arg10[%swap3A_166, %swap3A_167], %swap3A_170 {strides = array<i32>} : memref<512x64xf32, #tpu.memory_space<vmem>>, vector<1x16xf32>,
      %get3A_171 = arith.constant 0 : i32
      %get3A_172 = arith.index_cast %get3A_171 : i32 to index
      %get3A_173 = arith.index_cast %scan3A_130 : i32 to index
      %get3A_174 = arith.constant 32 : index
      %get3A_175 = tpu.vector_load %arg9[%get3A_172, %get3A_173, %get3A_174] {strides = array<i32>} : memref<2x128x128xf32, #tpu.memory_space<vmem>>, vector<1x1x16xf32>,
      %get3A_176 = vector.shape_cast %get3A_175 : vector<1x1x16xf32> to vector<16xf32>
      %add3A_177 = arith.constant 256 : i32
      %add3A_178 = arith.addi %add3A_177, %scan3A_130 : i32
      %get3A_179 = arith.index_cast %add3A_178 : i32 to index
      %get3A_180 = arith.constant 32 : index
      %get3A_181 = tpu.vector_load %arg10[%get3A_179, %get3A_180] {strides = array<i32>} : memref<512x64xf32, #tpu.memory_space<vmem>>, vector<1x16xf32>,
      %get3A_182 = vector.shape_cast %get3A_181 : vector<1x16xf32> to vector<16xf32>
      %sub3A_183 = arith.subf %get3A_176, %get3A_182 : vector<16xf32>
      %add3A_184 = arith.addf %get3A_182, %sub3A_183 : vector<16xf32>
      %add3A_185 = arith.constant 256 : i32
      %add3A_186 = arith.addi %add3A_185, %scan3A_130 : i32
      %swap3A_187 = arith.index_cast %add3A_186 : i32 to index
      %swap3A_188 = arith.constant 32 : index
      %swap3A_189 = tpu.vector_load %arg10[%swap3A_187, %swap3A_188] {strides = array<i32>} : memref<512x64xf32, #tpu.memory_space<vmem>>, vector<1x16xf32>,
      %swap3A_190 = vector.shape_cast %swap3A_189 : vector<1x16xf32> to vector<16xf32>
      %swap3A_191 = vector.shape_cast %add3A_184 : vector<16xf32> to vector<1x16xf32>
      tpu.vector_store %arg10[%swap3A_187, %swap3A_188], %swap3A_191 {strides = array<i32>} : memref<512x64xf32, #tpu.memory_space<vmem>>, vector<1x16xf32>,
      %get3A_192 = arith.constant 0 : i32
      %get3A_193 = arith.index_cast %get3A_192 : i32 to index
      %get3A_194 = arith.index_cast %scan3A_130 : i32 to index
      %get3A_195 = arith.constant 48 : index
      %get3A_196 = tpu.vector_load %arg9[%get3A_193, %get3A_194, %get3A_195] {strides = array<i32>} : memref<2x128x128xf32, #tpu.memory_space<vmem>>, vector<1x1x16xf32>,
      %get3A_197 = vector.shape_cast %get3A_196 : vector<1x1x16xf32> to vector<16xf32>
      %add3A_198 = arith.constant 256 : i32
      %add3A_199 = arith.addi %add3A_198, %scan3A_130 : i32
      %get3A_200 = arith.index_cast %add3A_199 : i32 to index
      %get3A_201 = arith.constant 48 : index
      %get3A_202 = tpu.vector_load %arg10[%get3A_200, %get3A_201] {strides = array<i32>} : memref<512x64xf32, #tpu.memory_space<vmem>>, vector<1x16xf32>,
      %get3A_203 = vector.shape_cast %get3A_202 : vector<1x16xf32> to vector<16xf32>
      %sub3A_204 = arith.subf %get3A_197, %get3A_203 : vector<16xf32>
      %add3A_205 = arith.addf %get3A_203, %sub3A_204 : vector<16xf32>
      %add3A_206 = arith.constant 256 : i32
      %add3A_207 = arith.addi %add3A_206, %scan3A_130 : i32
      %swap3A_208 = arith.index_cast %add3A_207 : i32 to index
      %swap3A_209 = arith.constant 48 : index
      %swap3A_210 = tpu.vector_load %arg10[%swap3A_208, %swap3A_209] {strides = array<i32>} : memref<512x64xf32, #tpu.memory_space<vmem>>, vector<1x16xf32>,
      %swap3A_211 = vector.shape_cast %swap3A_210 : vector<1x16xf32> to vector<16xf32>
      %swap3A_212 = vector.shape_cast %add3A_205 : vector<16xf32> to vector<1x16xf32>
      tpu.vector_store %arg10[%swap3A_208, %swap3A_209], %swap3A_212 {strides = array<i32>} : memref<512x64xf32, #tpu.memory_space<vmem>>, vector<1x16xf32>,
    }
    %scan3A_101 = arith.constant 128 : i32
    %dma_wait3A_102 = arith.constant 3 : i32
    %dma_wait3A_103 = arith.constant 1 : i32
    %dma_wait3A_104 = arith.constant 0 : i32
    %dma_wait3A_105 = arith.constant 0 : i32
    %dma_wait3A_106 = tpu.memref_slice %arg9[%dma_wait3A_103, %dma_wait3A_104, %dma_wait3A_105] : memref<2x128x128xf32, #tpu.memory_space<vmem>> -> memref<1x128x128xf32, #tpu.memory_space<vmem>>
    %dma_wait3A_107 = tpu.memref_squeeze %dma_wait3A_106 : memref<1x128x128xf32, #tpu.memory_space<vmem>> -> memref<128x128xf32, #tpu.memory_space<vmem>>
    %dma_wait3A_108 = arith.constant 0 : i32
    %dma_wait3A_109 = tpu.memref_slice %arg8[%dma_wait3A_102, %dma_wait3A_108] : memref<4x128xi32, #tpu.memory_space<vmem>> -> memref<1x128xi32, #tpu.memory_space<vmem>>
    %dma_wait3A_110 = tpu.memref_squeeze %dma_wait3A_109 : memref<1x128xi32, #tpu.memory_space<vmem>> -> memref<128xi32, #tpu.memory_space<vmem>>
    %dma_wait3A_111 = arith.constant 0 : i32
    %dma_wait3A_112 = arith.constant 0 : i32
    %dma_wait3A_113 = tpu.memref_slice %arg2[%dma_wait3A_111, %dma_wait3A_112] : memref<8192x128xf32, #tpu.memory_space<hbm>> -> memref<8192x128xf32, #tpu.memory_space<hbm>>
    tpu.wait_indirect_dma semaphore(%arg14 : memref<!tpu.dma_semaphore, #tpu.memory_space<semaphore_mem>>) src(%dma_wait3A_113 : memref<8192x128xf32, #tpu.memory_space<hbm>>) dst(%dma_wait3A_107 : memref<128x128xf32, #tpu.memory_space<vmem>>)
    %scan3A_114 = arith.constant 0 : i32
    %scan3A_115 = arith.constant 0 : i32
    %scan3A_116 = arith.constant 128 : i32
    %scan3A_117 = arith.addi %scan3A_115, %scan3A_116 : i32
    %scan3A_118 = arith.constant 1 : i32
    scf.for %scan3A_130 = %scan3A_115 to %scan3A_117 step %scan3A_118  : i32 {
      %get3A = arith.constant 1 : i32
      %get3A_131 = arith.index_cast %get3A : i32 to index
      %get3A_132 = arith.index_cast %scan3A_130 : i32 to index
      %get3A_133 = arith.constant 0 : index
      %get3A_134 = tpu.vector_load %arg9[%get3A_131, %get3A_132, %get3A_133] {strides = array<i32>} : memref<2x128x128xf32, #tpu.memory_space<vmem>>, vector<1x1x16xf32>,
      %get3A_135 = vector.shape_cast %get3A_134 : vector<1x1x16xf32> to vector<16xf32>
      %add3A_136 = arith.constant 384 : i32
      %add3A_137 = arith.addi %add3A_136, %scan3A_130 : i32
      %get3A_138 = arith.index_cast %add3A_137 : i32 to index
      %get3A_139 = arith.constant 0 : index
      %get3A_140 = tpu.vector_load %arg10[%get3A_138, %get3A_139] {strides = array<i32>} : memref<512x64xf32, #tpu.memory_space<vmem>>, vector<1x16xf32>,
      %get3A_141 = vector.shape_cast %get3A_140 : vector<1x16xf32> to vector<16xf32>
      %sub3A = arith.subf %get3A_135, %get3A_141 : vector<16xf32>
      %add3A_142 = arith.addf %get3A_141, %sub3A : vector<16xf32>
      %add3A_143 = arith.constant 384 : i32
      %add3A_144 = arith.addi %add3A_143, %scan3A_130 : i32
      %swap3A_145 = arith.index_cast %add3A_144 : i32 to index
      %swap3A_146 = arith.constant 0 : index
      %swap3A_147 = tpu.vector_load %arg10[%swap3A_145, %swap3A_146] {strides = array<i32>} : memref<512x64xf32, #tpu.memory_space<vmem>>, vector<1x16xf32>,
      %swap3A_148 = vector.shape_cast %swap3A_147 : vector<1x16xf32> to vector<16xf32>
      %swap3A_149 = vector.shape_cast %add3A_142 : vector<16xf32> to vector<1x16xf32>
      tpu.vector_store %arg10[%swap3A_145, %swap3A_146], %swap3A_149 {strides = array<i32>} : memref<512x64xf32, #tpu.memory_space<vmem>>, vector<1x16xf32>,
      %get3A_150 = arith.constant 1 : i32
      %get3A_151 = arith.index_cast %get3A_150 : i32 to index
      %get3A_152 = arith.index_cast %scan3A_130 : i32 to index
      %get3A_153 = arith.constant 16 : index
      %get3A_154 = tpu.vector_load %arg9[%get3A_151, %get3A_152, %get3A_153] {strides = array<i32>} : memref<2x128x128xf32, #tpu.memory_space<vmem>>, vector<1x1x16xf32>,
      %get3A_155 = vector.shape_cast %get3A_154 : vector<1x1x16xf32> to vector<16xf32>
      %add3A_156 = arith.constant 384 : i32
      %add3A_157 = arith.addi %add3A_156, %scan3A_130 : i32
      %get3A_158 = arith.index_cast %add3A_157 : i32 to index
      %get3A_159 = arith.constant 16 : index
      %get3A_160 = tpu.vector_load %arg10[%get3A_158, %get3A_159] {strides = array<i32>} : memref<512x64xf32, #tpu.memory_space<vmem>>, vector<1x16xf32>,
      %get3A_161 = vector.shape_cast %get3A_160 : vector<1x16xf32> to vector<16xf32>
      %sub3A_162 = arith.subf %get3A_155, %get3A_161 : vector<16xf32>
      %add3A_163 = arith.addf %get3A_161, %sub3A_162 : vector<16xf32>
      %add3A_164 = arith.constant 384 : i32
      %add3A_165 = arith.addi %add3A_164, %scan3A_130 : i32
      %swap3A_166 = arith.index_cast %add3A_165 : i32 to index
      %swap3A_167 = arith.constant 16 : index
      %swap3A_168 = tpu.vector_load %arg10[%swap3A_166, %swap3A_167] {strides = array<i32>} : memref<512x64xf32, #tpu.memory_space<vmem>>, vector<1x16xf32>,
      %swap3A_169 = vector.shape_cast %swap3A_168 : vector<1x16xf32> to vector<16xf32>
      %swap3A_170 = vector.shape_cast %add3A_163 : vector<16xf32> to vector<1x16xf32>
      tpu.vector_store %arg10[%swap3A_166, %swap3A_167], %swap3A_170 {strides = array<i32>} : memref<512x64xf32, #tpu.memory_space<vmem>>, vector<1x16xf32>,
      %get3A_171 = arith.constant 1 : i32
      %get3A_172 = arith.index_cast %get3A_171 : i32 to index
      %get3A_173 = arith.index_cast %scan3A_130 : i32 to index
      %get3A_174 = arith.constant 32 : index
      %get3A_175 = tpu.vector_load %arg9[%get3A_172, %get3A_173, %get3A_174] {strides = array<i32>} : memref<2x128x128xf32, #tpu.memory_space<vmem>>, vector<1x1x16xf32>,
      %get3A_176 = vector.shape_cast %get3A_175 : vector<1x1x16xf32> to vector<16xf32>
      %add3A_177 = arith.constant 384 : i32
      %add3A_178 = arith.addi %add3A_177, %scan3A_130 : i32
      %get3A_179 = arith.index_cast %add3A_178 : i32 to index
      %get3A_180 = arith.constant 32 : index
      %get3A_181 = tpu.vector_load %arg10[%get3A_179, %get3A_180] {strides = array<i32>} : memref<512x64xf32, #tpu.memory_space<vmem>>, vector<1x16xf32>,
      %get3A_182 = vector.shape_cast %get3A_181 : vector<1x16xf32> to vector<16xf32>
      %sub3A_183 = arith.subf %get3A_176, %get3A_182 : vector<16xf32>
      %add3A_184 = arith.addf %get3A_182, %sub3A_183 : vector<16xf32>
      %add3A_185 = arith.constant 384 : i32
      %add3A_186 = arith.addi %add3A_185, %scan3A_130 : i32
      %swap3A_187 = arith.index_cast %add3A_186 : i32 to index
      %swap3A_188 = arith.constant 32 : index
      %swap3A_189 = tpu.vector_load %arg10[%swap3A_187, %swap3A_188] {strides = array<i32>} : memref<512x64xf32, #tpu.memory_space<vmem>>, vector<1x16xf32>,
      %swap3A_190 = vector.shape_cast %swap3A_189 : vector<1x16xf32> to vector<16xf32>
      %swap3A_191 = vector.shape_cast %add3A_184 : vector<16xf32> to vector<1x16xf32>
      tpu.vector_store %arg10[%swap3A_187, %swap3A_188], %swap3A_191 {strides = array<i32>} : memref<512x64xf32, #tpu.memory_space<vmem>>, vector<1x16xf32>,
      %get3A_192 = arith.constant 1 : i32
      %get3A_193 = arith.index_cast %get3A_192 : i32 to index
      %get3A_194 = arith.index_cast %scan3A_130 : i32 to index
      %get3A_195 = arith.constant 48 : index
      %get3A_196 = tpu.vector_load %arg9[%get3A_193, %get3A_194, %get3A_195] {strides = array<i32>} : memref<2x128x128xf32, #tpu.memory_space<vmem>>, vector<1x1x16xf32>,
      %get3A_197 = vector.shape_cast %get3A_196 : vector<1x1x16xf32> to vector<16xf32>
      %add3A_198 = arith.constant 384 : i32
      %add3A_199 = arith.addi %add3A_198, %scan3A_130 : i32
      %get3A_200 = arith.index_cast %add3A_199 : i32 to index
      %get3A_201 = arith.constant 48 : index
      %get3A_202 = tpu.vector_load %arg10[%get3A_200, %get3A_201] {strides = array<i32>} : memref<512x64xf32, #tpu.memory_space<vmem>>, vector<1x16xf32>,
      %get3A_203 = vector.shape_cast %get3A_202 : vector<1x16xf32> to vector<16xf32>
      %sub3A_204 = arith.subf %get3A_197, %get3A_203 : vector<16xf32>
      %add3A_205 = arith.addf %get3A_203, %sub3A_204 : vector<16xf32>
      %add3A_206 = arith.constant 384 : i32
      %add3A_207 = arith.addi %add3A_206, %scan3A_130 : i32
      %swap3A_208 = arith.index_cast %add3A_207 : i32 to index
      %swap3A_209 = arith.constant 48 : index
      %swap3A_210 = tpu.vector_load %arg10[%swap3A_208, %swap3A_209] {strides = array<i32>} : memref<512x64xf32, #tpu.memory_space<vmem>>, vector<1x16xf32>,
      %swap3A_211 = vector.shape_cast %swap3A_210 : vector<1x16xf32> to vector<16xf32>
      %swap3A_212 = vector.shape_cast %add3A_205 : vector<16xf32> to vector<1x16xf32>
      tpu.vector_store %arg10[%swap3A_208, %swap3A_209], %swap3A_212 {strides = array<i32>} : memref<512x64xf32, #tpu.memory_space<vmem>>, vector<1x16xf32>,
    }
    %scan3A_119 = arith.constant 128 : i32
    "tpu.region"() ({
      %run_scoped3A = tpu.sem_alloc : memref<!tpu.dma_semaphore, #tpu.memory_space<semaphore_mem>>
      %dma_start3A_130 = arith.constant 0 : i32
      %dma_start3A_131 = tpu.memref_slice %arg6[%mul3A_2, %dma_start3A_130] : memref<16384x64xf32, #tpu.memory_space<hbm>> -> memref<512x64xf32, #tpu.memory_space<hbm>>
      %dma_start3A_132 = arith.constant 0 : i32
      %dma_start3A_133 = tpu.memref_slice %arg6[%mul3A_2, %dma_start3A_132] : memref<16384x64xf32, #tpu.memory_space<hbm>> -> memref<512x64xf32, #tpu.memory_space<hbm>>
      tpu.enqueue_dma source(%arg10 : memref<512x64xf32, #tpu.memory_space<vmem>>) target(%dma_start3A_133 : memref<512x64xf32, #tpu.memory_space<hbm>>) target_semaphore(%run_scoped3A : memref<!tpu.dma_semaphore, #tpu.memory_space<semaphore_mem>>)
      %dma_wait3A_134 = arith.constant 0 : i32
      %dma_wait3A_135 = tpu.memref_slice %arg6[%mul3A_2, %dma_wait3A_134] : memref<16384x64xf32, #tpu.memory_space<hbm>> -> memref<512x64xf32, #tpu.memory_space<hbm>>
      %dma_wait3A_136 = arith.constant 0 : i32
      %dma_wait3A_137 = tpu.memref_slice %arg6[%mul3A_2, %dma_wait3A_136] : memref<16384x64xf32, #tpu.memory_space<hbm>> -> memref<512x64xf32, #tpu.memory_space<hbm>>
      tpu.wait_dma2 semaphore(%run_scoped3A : memref<!tpu.dma_semaphore, #tpu.memory_space<semaphore_mem>>) src(%arg10 : memref<512x64xf32, #tpu.memory_space<vmem>>) dst(%dma_wait3A_137 : memref<512x64xf32, #tpu.memory_space<hbm>>)
      tpu.yield
    }) : () -> ()
    %broadcast_in_dim3A = arith.constant 0.000000e+00 : f32
    %broadcast_in_dim3A_120 = vector.broadcast %broadcast_in_dim3A : f32 to vector<16xf32>
    %scan3A_121 = arith.constant 0 : i32
    %scan3A_122 = arith.constant 32 : i32
    %scan3A_123 = arith.addi %scan3A_121, %scan3A_122 : i32
    %scan3A_124 = arith.constant 1 : i32
    %scan3A_125 = scf.for %scan3A_130 = %scan3A_121 to %scan3A_123 step %scan3A_124 iter_args(%scan3A_131 = %broadcast_in_dim3A_120) -> (vector<16xf32>)  : i32 {
      %mul3A_132 = arith.constant 16 : i32
      %mul3A_133 = arith.muli %scan3A_130, %mul3A_132 : i32
      %get3A = arith.index_cast %mul3A_133 : i32 to index
      %get3A_134 = tpu.vector_load %arg11[%get3A] {strides = array<i32>} : memref<512xf32, #tpu.memory_space<vmem>>, vector<16xf32>,
      %get3A_135 = vector.shape_cast %get3A_134 : vector<16xf32> to vector<16xf32>
      %add3A_136 = arith.addf %scan3A_131, %get3A_135 : vector<16xf32>
      scf.yield %add3A_136 : vector<16xf32>
    }
    %scan3A_126 = arith.constant 32 : i32
    %swap3A = arith.constant 0 : index
    %swap3A_127 = tpu.vector_load %arg12[%swap3A] {strides = array<i32>} : memref<16xf32, #tpu.memory_space<vmem>>, vector<16xf32>,
    %swap3A_128 = vector.shape_cast %swap3A_127 : vector<16xf32> to vector<16xf32>
    %swap3A_129 = vector.shape_cast %scan3A_125 : vector<16xf32> to vector<16xf32>
    tpu.vector_store %arg12[%swap3A], %swap3A_129 {strides = array<i32>} : memref<16xf32, #tpu.memory_space<vmem>>, vector<16xf32>,
    "tpu.region"() ({
      %run_scoped3A = tpu.sem_alloc : memref<!tpu.dma_semaphore, #tpu.memory_space<semaphore_mem>>
      %dma_start3A_130 = arith.constant 0 : i32
      %dma_start3A_131 = tpu.memref_slice %arg7[%add3A, %dma_start3A_130] : memref<32x16xf32, #tpu.memory_space<hbm>> -> memref<1x16xf32, #tpu.memory_space<hbm>>
      %dma_start3A_132 = tpu.memref_squeeze %dma_start3A_131 : memref<1x16xf32, #tpu.memory_space<hbm>> -> memref<16xf32, #tpu.memory_space<hbm>>
      %dma_start3A_133 = arith.constant 0 : i32
      %dma_start3A_134 = tpu.memref_slice %arg7[%add3A, %dma_start3A_133] : memref<32x16xf32, #tpu.memory_space<hbm>> -> memref<1x16xf32, #tpu.memory_space<hbm>>
      %dma_start3A_135 = tpu.memref_squeeze %dma_start3A_134 : memref<1x16xf32, #tpu.memory_space<hbm>> -> memref<16xf32, #tpu.memory_space<hbm>>
      tpu.enqueue_dma source(%arg12 : memref<16xf32, #tpu.memory_space<vmem>>) target(%dma_start3A_135 : memref<16xf32, #tpu.memory_space<hbm>>) target_semaphore(%run_scoped3A : memref<!tpu.dma_semaphore, #tpu.memory_space<semaphore_mem>>)
      %dma_wait3A_136 = arith.constant 0 : i32
      %dma_wait3A_137 = tpu.memref_slice %arg7[%add3A, %dma_wait3A_136] : memref<32x16xf32, #tpu.memory_space<hbm>> -> memref<1x16xf32, #tpu.memory_space<hbm>>
      %dma_wait3A_138 = tpu.memref_squeeze %dma_wait3A_137 : memref<1x16xf32, #tpu.memory_space<hbm>> -> memref<16xf32, #tpu.memory_space<hbm>>
      %dma_wait3A_139 = arith.constant 0 : i32
      %dma_wait3A_140 = tpu.memref_slice %arg7[%add3A, %dma_wait3A_139] : memref<32x16xf32, #tpu.memory_space<hbm>> -> memref<1x16xf32, #tpu.memory_space<hbm>>
      %dma_wait3A_141 = tpu.memref_squeeze %dma_wait3A_140 : memref<1x16xf32, #tpu.memory_space<hbm>> -> memref<16xf32, #tpu.memory_space<hbm>>
      tpu.wait_dma2 semaphore(%run_scoped3A : memref<!tpu.dma_semaphore, #tpu.memory_space<semaphore_mem>>) src(%arg12 : memref<16xf32, #tpu.memory_space<vmem>>) dst(%dma_wait3A_141 : memref<16xf32, #tpu.memory_space<hbm>>)
      tpu.yield
    }) : () -> ()
    return
  }
}

</mosaic_0001>

<sc_bundles>
// kernel: _sc_gather.3.cloned.1.call-start
scs
__scs_entry_jumppad:
0x0: {  	(pc) =	sbr.rel $0x88, $3  }
0x1: {  	(tag) =	ssettag $0x0;
	lr =	simm.s32 $0x1  }
0x2: {  	[smem:$0x3F9D] =	sst lr;
	_ =	strace $0xD0000000  }
0x3: {  	_ = 	snop  }
0x4: {  	_ = 	snop  }
0x5: {  	_ = 	snop  }
0x6: {  	_ = 	snop  }
0x7: {  	_ = 	snop  }
__scs_overlays_trampoline_lowered:
0x8: {  	[smem:$0x3FAC] =	sst s0  }
0x9: {  	[smem:$0x3FAD] =	sst s1  }
0xa: {  	[smem:$0x3FAE] =	sst s2  }
0xb: {  	[smem:$0x3FAF] =	sst s3  }
0xc: {  	[smem:$0x3FB0] =	sst s4  }
0xd: {  	[smem:$0x3FB1] =	sst s5  }
0xe: {  	[smem:$0x3FB2] =	sst s6  }
0xf: {  	[smem:$0x3FB3] =	sst s7  }
0x10: {  	[smem:$0x3FB4] =	sst s8  }
0x11: {  	[smem:$0x3FB5] =	sst s9;
	s0 =	simm.s32 @!p0 $0x0  }
0x12: {  	s1 =	sld [smem:$0x3F9B];
	s0 =	simm.s32 @p0 $0x1  }
0x13: {  	[smem:$0x3FB6] =	sst s0;
	s0 =	simm.s32 @!p1 $0x0  }
0x14: {  	s2 =	sld [smem:$0x3F9A];
	s0 =	simm.s32 @p1 $0x1  }
0x15: {  	[smem:$0x3FB7] =	sst s0;
	s0 =	simm.s32 @!p2 $0x0  }
0x16: {  	s3 =	sld [smem:$0x3FDB];
	s0 =	simm.s32 @p2 $0x1  }
0x17: {  	s4 =	simm.s32 $0x1BF5;
	[smem:$0x3FB9] =	sst s0  }
0x18: {  	s0 =	sld [smem:$0x3F9C];
	_ =	swait.ge [sflag:s4], $0x0  }
0x19: {  	s7 =	sld [smem:$0x3F9D]  }
0x1a: {  	s8 =	sadd.s32 $0xFFFFE003, lr  }
0x1b: {  	s9 =	sadd.s32 $0xFFFFFEF7, lr;
	s5 =	simm.s32 $0xFFFFFFFF;
	p2 =	slt.u32 s8, $0xFFFFF086  }
0x1c: {  	p1 =	slt.u32 s9, $0xF7A;
	s5 =	simm.s32 @!p2 $0x0  }
0x1d: {  	s5 =	simm.s32 @p1 $0x1;
	p0 =	seq.s32 s7, s2  }
0x1e: {  	s7 =	smul.u32 @!p0 $0xF7A, s2;
	p2 =	seq.s32 @!p0 s5, $0x0  }
0x1f: {  	s9 =	smul.u32 $0xF7A, s1;
	s8 =	simm.s32 @!p0 $0x1BF5;
	p2 =	por !p2, p0  }
0x20: {  	[sflag:s8] =	ssyncset.s32 @!p0 $0xFFFFF086;
	s6 =	sadd.s32 @!p0 s3, s7;
	s7 =	simm.s32 @!p0 $0x108  }
0x21: {  	s3 =	sadd.s32 s3, s9;
	s6 =	sadd.s32 @!p0 $0x88, s6;
	s7 =	simm.s32 @p2 $0x1082  }
0x22: {  	[simem:s7], [sflag:s8] =	dma.local @!p0 [hbm:s6], $0xF7A  }
0x23: {  	s9 =	sor.u32 $0xD0000000, s2;
	s6 =	simm.s32 $0x108;
	_ =	swait.ge @!p0 [sflag:s8], $0x0  }
0x24: {  	s3 =	sadd.s32 $0x88, s3;
	s6 =	simm.s32 @!p1 $0x1082;
	[sflag:s4] =	ssyncset.s32 $0xFFFFF086  }
0x25: {  	[simem:s6], [sflag:s4] =	dma.local [hbm:s3], $0xF7A  }
0x26: {  	[smem:$0x3F9D] =	sst s1;
	(tag) =	ssettag s2;
	_ =	strace s9  }
0x27: {  	s1 =	sld [smem:$0x3FAD]  }
0x28: {  	s2 =	sld [smem:$0x3FAE]  }
0x29: {  	s4 =	sld [smem:$0x3FB0]  }
0x2a: {  	p0 =	seq.s32 s5, $0x0;
	s5 =	sld [smem:$0x3FB1]  }
0x2b: {  	s6 =	sld [smem:$0x3FB2]  }
0x2c: {  	s7 =	sld [smem:$0x3FB3]  }
0x2d: {  	s3 =	simm.s32 $0x108;
	s8 =	sld [smem:$0x3FB4]  }
0x2e: {  	s3 =	simm.s32 @!p0 $0x1082;
	s9 =	sld [smem:$0x3FB5]  }
0x2f: {  	lr =	sadd.s32 s0, s3;
	s0 =	sld [smem:$0x3FAC]  }
0x30: {  	s3 =	sld [smem:$0x3FAF]  }
0x31: {  	[smem:$0x3FB8] =	sst s10  }
0x32: {  	s10 =	sld [smem:$0x3FB6];
	_ =	sdelay $0x3  }
0x33: {  	p0 =	seq.s32 s10, $0x1;
	s10 =	sld [smem:$0x3FB8];
	_ =	sdelay $0x3  }
0x34: {  	[smem:$0x3FB8] =	sst s10  }
0x35: {  	s10 =	sld [smem:$0x3FB7];
	_ =	sdelay $0x3  }
0x36: {  	p1 =	seq.s32 s10, $0x1;
	s10 =	sld [smem:$0x3FB8];
	_ =	sdelay $0x3  }
0x37: {  	[smem:$0x3FB8] =	sst s10  }
0x38: {  	s10 =	sld [smem:$0x3FB9]  }
0x39: {  	_ = 	snop;
	(pc) =	sbr.ind lr, $3  }
0x3a: {  	_ = 	snop  }
0x3b: {  	_ = 	snop  }
0x3c: {  	p2 =	seq.s32 s10, $0x1;
	s10 =	sld [smem:$0x3FB8]  }
0x3d: {  	_ =	shalt  }
0x3e: {  	_ =	shalt  }
0x3f: {  	_ =	shalt  }
0x40: {  	_ =	shalt  }
0x41: {  	_ =	shalt  }
0x42: {  	_ =	shalt  }
0x43: {  	_ =	shalt  }
0x44: {  	_ =	shalt  }
0x45: {  	_ =	shalt  }
0x46: {  	_ =	shalt  }
0x47: {  	_ =	shalt  }
0x48: {  	_ =	shalt  }
0x49: {  	_ =	shalt  }
0x4a: {  	_ =	shalt  }
0x4b: {  	_ =	shalt  }
0x4c: {  	_ =	shalt  }
0x4d: {  	_ =	shalt  }
0x4e: {  	_ =	shalt  }
0x4f: {  	_ =	shalt  }
0x50: {  	_ =	shalt  }
0x51: {  	_ =	shalt  }
0x52: {  	_ =	shalt  }
0x53: {  	_ =	shalt  }
0x54: {  	_ =	shalt  }
0x55: {  	_ =	shalt  }
0x56: {  	_ =	shalt  }
0x57: {  	_ =	shalt  }
0x58: {  	_ =	shalt  }
0x59: {  	_ =	shalt  }
0x5a: {  	_ =	shalt  }
0x5b: {  	_ =	shalt  }
0x5c: {  	_ =	shalt  }
0x5d: {  	_ =	shalt  }
0x5e: {  	_ =	shalt  }
0x5f: {  	_ =	shalt  }
0x60: {  	_ =	shalt  }
0x61: {  	_ =	shalt  }
0x62: {  	_ =	shalt  }
0x63: {  	_ =	shalt  }
0x64: {  	_ =	shalt  }
0x65: {  	_ =	shalt  }
0x66: {  	_ =	shalt  }
0x67: {  	_ =	shalt  }
0x68: {  	_ =	shalt  }
0x69: {  	_ =	shalt  }
0x6a: {  	_ =	shalt  }
0x6b: {  	_ =	shalt  }
0x6c: {  	_ =	shalt  }
0x6d: {  	_ =	shalt  }
0x6e: {  	_ =	shalt  }
0x6f: {  	_ =	shalt  }
0x70: {  	_ =	shalt  }
0x71: {  	_ =	shalt  }
0x72: {  	_ =	shalt  }
0x73: {  	_ =	shalt  }
0x74: {  	_ =	shalt  }
0x75: {  	_ =	shalt  }
0x76: {  	_ =	shalt  }
0x77: {  	_ =	shalt  }
0x78: {  	_ =	shalt  }
0x79: {  	_ =	shalt  }
0x7a: {  	_ =	shalt  }
0x7b: {  	_ =	shalt  }
0x7c: {  	_ =	shalt  }
0x7d: {  	_ =	shalt  }
0x7e: {  	_ =	shalt  }
0x7f: {  	_ =	shalt  }
0x80: {  	_ =	shalt  }
0x81: {  	_ =	shalt  }
0x82: {  	_ =	shalt  }
0x83: {  	_ =	shalt  }
0x84: {  	_ =	shalt  }
0x85: {  	_ =	shalt  }
0x86: {  	_ =	shalt  }
0x87: {  	_ =	shalt  }
.Lfunc_end0:
.L_simem_size_0:
called_computation_lowered:
.L_overlay_start_0:
0x88: {  	s2 =	sld [smem:$0x3FD9]  }
0x89: {  	s3 =	sld [smem:$0x3FFE];
	_ =	sdelay $0x1  }
0x8a: {  	s1 =	srdreg.scid  }
0x8b: {  	s0 =	sand.u32 $0x1, s1  }
0x8c: {  	s14 =	sshll.u32 s0, $0xA;
	s2 =	sadd.s32 s3, s2  }
0x8d: {  	s2 =	sadd.s32 s2, s14  }
0x8e: {  	[smem:$0x3FC4] =	sst s2  }
0x8f: {  	_ = 	snop  }
0x90: {  	s2 =	sld [smem:$0x3FD0];
	_ =	sdelay $0x2  }
0x91: {  	s4 =	simm.s32 $0xA;
	s5 =	simm.s32 $0x10;
	s15 =	sld [smem:$0x3FC8]  }
0x92: {  	[smem:s5], [sflag:s4] =	dma.local [hbm:s2], $0x1  }
0x93: {  	_ =	swait.eq [sflag:s4], $0x1  }
0x94: {  	[sflag:s4] =	ssyncset.done $0x0  }
0x95: {  	[sflag:s4] =	ssyncadd.s32 $0xFFFFFFFF  }
0x96: {  	s16 =	sld [smem:$0x10];
	(tm) =	ssettm $0x1  }
0x97: {  	s17 =	sld [smem:$0x3FFB];
	_ =	sdelay $0x3  }
0x98: {  	_ =	strace s17  }
0x99: {  	s4 =	sld [smem:$0x3FFC];
	_ =	sdelay $0x3  }
0x9a: {  	_ =	strace s4  }
0x9b: {  	s4 =	sld [smem:$0x3FFD];
	_ =	sdelay $0x3  }
0x9c: {  	_ =	strace s4  }
0x9d: {  	_ =	strace $0x8FFFFFFF  }
0x9e: {  	s18 =	sld [smem:$0x3FDB];
	_ =	sdelay $0x1  }
0x9f: {  	s19 =	simm.s32 $_scs_section_size  }
0xa0: {  	s6 =	simm.s32 $_size__tile_overlayer_lowered;
	s7 =	simm.s32 $_tile_overlayer_lowered  }
0xa1: {  	s22 =	simm.s32 $0x1BFF;
	s21 =	sshll.u32 s7, $0x1;
	s4 =	sadd.s32 s19, s18  }
0xa2: {  	s8 =	simm.s32 $0x0;
	s20 =	sshll.u32 s6, $0x1;
	s6 =	sadd.s32 s21, s4  }
0xa3: {  	[timem:s8], [sflag:s22] =	dma.local [hbm:s6], s20  }
0xa4: {  	_ =	swait.ge [sflag:s22], s20  }
0xa5: {  	s5 =	ssub.s32 $0x0, s20;
	[sflag:s22] =	ssyncset.done $0x0  }
0xa6: {  	[sflag:s22] =	ssyncadd.s32 s5;
	_ =	sdelay $0x1  }
0xa7: {  	s23 =	simm.s32 $0x1B8B  }
0xa8: {  	_ =	swait.ge [sflag:s23], $0x1  }
0xa9: {  	[sflag:s23] =	ssyncset.done $0x0  }
0xaa: {  	s25 =	simm.s32 $0x1B8E;
	s24 =	sld [smem:$0x3FFE];
	[sflag:s23] =	ssyncadd.s32 $0xFFFFFFFF  }
0xab: {  	s26 =	simm.s32 $execute0_lowered;
	[smem:$0x3FD2] =	sst s25  }
0xac: {  	s6 =	sshll.u32 s26, $0x1;
	_ =	strace $0x80000046;
	[dreg:$0x1] =	wrdreg $0xFFFFFFFF  }
0xad: {  	s28 =	simm.s32 $_size_execute0_lowered;
	s4 =	sadd.s32 s4, s6;
	[dreg:$0x0] =	wrdreg $0x0  }
0xae: {  	s6 =	sshll.u32 s28, $0x1;
	[dreg:$0x2] =	wrdreg s4  }
0xaf: {  	[dreg:$0x3] =	wrdreg s6  }
0xb0: {  	[dreg:$0x4] =	wrdreg $0xC0  }
0xb1: {  	_ =	task [dreg:s8], $0x5FFFF  }
0xb2: {  	[dreg:$0x1] =	wrdreg $0xFFFFFFFF  }
0xb3: {  	[dreg:$0x0] =	wrdreg $0x60  }
0xb4: {  	[dreg:$0x2] =	wrdreg s16  }
0xb5: {  	[dreg:$0x3] =	wrdreg s15  }
0xb6: {  	[dreg:$0x4] =	wrdreg s24  }
0xb7: {  	[dreg:$0x5] =	wrdreg $0x9  }
0xb8: {  	_ =	task.clear_ibuf [dreg:s8], $0x6FFFF;
	_ =	strace $0x90000046  }
0xb9: {  	s29 =	simm.s32 $0x9;
	_ =	strace $0x80000048  }
0xba: {  	_ =	swait.ge [sflag:s29], $0x1  }
0xbb: {  	[sflag:s29] =	ssyncadd.s32 $0xFFFFFFFF  }
0xbc: {  	_ =	strace $0x90000048  }
0xbd: {  	_ =	sfence  }
0xbe: {  	s30 =	sld [smem:$0x0];
	_ =	sdelay $0x2  }
0xbf: {  	s31 =	sshll.u32 s1, $0xD;
	s1 =	sshrl.u32 s1, $0x2  }
0xc0: {  	s3 =	sand.u32 $0x4000, s31;
	s1 =	sadd.s32 s1, s30  }
0xc1: {  	s0 =	sor.u32 s3, s0;
	s1 =	sshll.u32 s1, $0x11  }
0xc2: {  	s0 =	sor.u32 s1, s0  }
0xc3: {  	s0 =	sadd.s32 $0x8F2B, s0  }
0xc4: {  	[sflag:s0] =	ssyncadd.remote.s32 $0x1  }
0xc5: {  	_ =	sfence.sel $0xFFFF  }
0xc6: {  	[dreg:$0x0] =	wrdreg $0xFFFFFFFF;
	(pc) =	sbr.abs _section_cstart, $3  }
0xc7: {  	[dreg:$0x1] =	wrdreg $0xFFFFFFFF  }
0xc8: {  	_ =	task.clear_ibuf [dreg:s8], $0x2FFFF;
	_ =	strace $0x9FFFFFFF  }
0xc9: {  	(tm) =	ssettm $0x7FFFFFFF  }
tec
execute0_lowered:
.L_overlay_start_1:
0x0: {  	(tag) =	ssettag $0x1  }
0x1: {  	s1 =	rddreg [dreg:$0x0]  }
0x2: {  	s2 =	srdreg.scid;
	s4 =	rddreg [dreg:$0x1]  }
0x3: {  	s0 =	stileid.u32;
	s6 =	rddreg [dreg:$0x2];
	s3 =	simm.s32 $0x0  }
0x4: {  	s12 =	simm.s32 $0x80;
	s13 =	simm.s32 $0x400;
	s14 =	simm.s32 $0x18200  }
0x5: {  	s15 =	simm.s32 $0x200;
	s16 =	simm.s32 $0x4200;
	s17 =	simm.s32 $0x1  }
0x6: {  	s18 =	simm.s32 $0x100;
	s19 =	simm.s32 $0x2;
	s20 =	simm.s32 $0x180  }
0x7: {  	s21 =	simm.s32 $0x18400;
	s22 =	simm.s32 $0x0;
	s5 =	sand.u32 $0x1, s2  }
0x8: {  	s30 =	sshll.u32 s0, $0x1;
	s2 =	rddreg [dreg:$0x3];
	s8 =	sshrl.u32 s0, $0x2  }
0x9: {  	[smem:$0x7FF] =	sst s3;
	s7 =	sor.u32 s5, s30;
	s10 =	sshll.u32 s8, $0xC  }
0xa: {  	_ =	strace $0x80000047;
	s8 =	sshll.u32 s8, $0xA;
	s5 =	ssub.s32 $0x2, s5  }
0xb: {  	s9 =	sshll.u32 s7, $0x7;
	s11 =	sshll.u32 s7, $0xD;
	s31 =	sshrl.u32 s5, $0x1  }
0xc: {  	s7 =	sshll.u32 s7, $0x6;
	s9 =	sand.u32 $0x380, s9;
	s11 =	sadd.s32 s11, s6  }
0xd: {  	s4 =	sadd.s32 s4, s7;
	s10 =	sor.u32 s10, s9;
	s8 =	sor.u32 s8, s9  }
0xe: {  	s9 =	ssub.s32 s5, s31;
	s5 =	sadd.s32 $0x1400, s11;
	s7 =	sadd.s32 $0x41400, s11  }
0xf: {  	s11 =	simm.s32 $0x8200;
	s10 =	sshrl.u32 s10, $0x3;
	s8 =	sshrl.u32 s8, $0x3  }
0x10: {  	s9 =	smax.u32 s9, $0x1;
	s10 =	sadd.s32 s10, s6;
	s8 =	sadd.s32 s8, s6  }
0x11: {  	s6 =	sadd.s32 $0xC00, s10;
	s8 =	sadd.s32 $0x81400, s8;
	s10 =	simm.s32 $0x3  }
.LBB2_1:
0x12: {  	[tilespmem:s3], [sflag:$0x3] =	stream.linear.gather [hbm4b:s4+s3], $0x200, $0x38;
	[tilespmem:$0x18480] =	vst v63  }
0x13: {  	_ =	swait.ge [sflag:s10], $0x200  }
0x14: {  	[sflag:s10] =	ssyncset.done $0x0  }
0x15: {  	[sflag:s10] =	ssyncadd.s32 $0xFFFFFE00  }
0x16: {  	[tilespmem:s11], [sflag:$0x3] =	stream.linear.gather [hbm4b:s5+s3], $0x10000, $0x38;
	[tilespmem:$0x18480] =	vst v63  }
0x17: {  	_ =	swait.ge [sflag:s10], $0x10000  }
0x18: {  	[sflag:s10] =	ssyncset.done $0x0  }
0x19: {  	[sflag:s10] =	ssyncadd.s32 $0xFFFF0000  }
0x1a: {  	[tilespmem:s14], [sflag:$0x3] =	stream.strided.gather [hbm4b:s6+s12], $0x200, s13, s12, $0x38;
	[tilespmem:$0x18480] =	vst v63  }
0x1b: {  	_ =	swait.ge [sflag:s10], $0x200  }
0x1c: {  	[sflag:s10] =	ssyncset.done $0x0  }
0x1d: {  	[sflag:s10] =	ssyncadd.s32 $0xFFFFFE00  }
0x1e: {  	[tilespmem:s15], [sflag:$0x1] =	stream.indirect.gather [hbm4b:s1+s12], $0x80, s3, s12, $0xb8;
	[tilespmem:$0x18480] =	vst v63  }
0x1f: {  	_ = 	snop  }
0x20: {  	[tilespmem:s16], [sflag:$0x2] =	stream.indirect.gather [hbm4b:s1+s12], $0x80, s12, s12, $0xb8;
	[tilespmem:$0x18480] =	vst v63  }
0x21: {  	_ =	swait.ge [sflag:s17], $0x4000  }
0x22: {  	[sflag:s17] =	ssyncset.done $0x0  }
0x23: {  	s23 =	simm.s32 $0x0;
	[sflag:s17] =	ssyncadd.s32 $0xFFFFC000  }
0x24: {  	v2 =	vld [tilespmem:s23+$0x200]  }
0x25: {  	v3 =	vld [tilespmem:s23+$0x210]  }
0x26: {  	v1 =	vld [tilespmem:s23+$0x220]  }
0x27: {  	v0 =	vld [tilespmem:s23+$0x230]  }
0x28: {  	v6 =	vld [tilespmem:s23+$0x8200]  }
0x29: {  	v5 =	vld [tilespmem:s23+$0x8210]  }
0x2a: {  	s24 =	simm.s32 $0x200;
	v4 =	vld [tilespmem:s23+$0x8220]  }
.LBB2_2:
0x2b: {  	p0 =	sne.s32 s24, $0xFE00;
	v7 =	vld [tilespmem:s23+$0x8230];
	_ =	sdelay $0x1  }
0x2c: {  	s25 =	sshra.s32 s24, $0x2;
	v8 =	vsub.f32 v2, v6  }
0x2d: {  	v2 =	vld [tilespmem:s25+$0x200];
	v9 =	vsub.f32 v3, v5  }
0x2e: {  	v3 =	vld [tilespmem:s25+$0x210];
	v6 =	vadd.f32 v8, v6;
	v8 =	vsub.f32 v1, v4  }
.Ltmp0:
0x2f: {  	v1 =	vld [tilespmem:s25+$0x220];
	v5 =	vadd.f32 v9, v5;
	v9 =	vsub.f32 v0, v7;
	(pc) =	sbr.rel @p0 .LBB2_2-.Ltmp0, $4  }
0x30: {  	v0 =	vld [tilespmem:s25+$0x230];
	[tilespmem:s23+$0x8200] =	vst v6;
	v4 =	vadd.f32 v8, v4  }
0x31: {  	v6 =	vld [tilespmem:s25+$0x8200];
	[tilespmem:s23+$0x8210] =	vst v5;
	v7 =	vadd.f32 v9, v7  }
0x32: {  	v5 =	vld [tilespmem:s25+$0x8210];
	[tilespmem:s23+$0x8220] =	vst v4  }
0x33: {  	s24 =	sadd.s32 $0x200, s24;
	v4 =	vld [tilespmem:s25+$0x8220];
	[tilespmem:s23+$0x8230] =	vst v7;
	s23 =	smov.u32 s25  }
0x34: {  	v7 =	vld [tilespmem:s23+$0x8230];
	_ =	sdelay $0x1  }
0x35: {  	v2 =	vsub.f32 v2, v6  }
0x36: {  	v3 =	vsub.f32 v3, v5  }
0x37: {  	v2 =	vadd.f32 v2, v6;
	v1 =	vsub.f32 v1, v4  }
0x38: {  	v3 =	vadd.f32 v3, v5;
	v0 =	vsub.f32 v0, v7  }
0x39: {  	[tilespmem:s23+$0x8200] =	vst v2;
	v1 =	vadd.f32 v1, v4  }
0x3a: {  	[tilespmem:s23+$0x8210] =	vst v3;
	v0 =	vadd.f32 v0, v7  }
0x3b: {  	[tilespmem:s23+$0x8220] =	vst v1  }
0x3c: {  	[tilespmem:s23+$0x8230] =	vst v0  }
0x3d: {  	[tilespmem:s15], [sflag:$0x1] =	stream.indirect.gather [hbm4b:s1+s12], $0x80, s18, s12, $0xb8;
	[tilespmem:$0x18480] =	vst v63  }
0x3e: {  	_ =	swait.ge [sflag:s19], $0x4000  }
0x3f: {  	[sflag:s19] =	ssyncset.done $0x0  }
0x40: {  	s23 =	simm.s32 $0x0;
	[sflag:s19] =	ssyncadd.s32 $0xFFFFC000  }
0x41: {  	v2 =	vld [tilespmem:s23+$0x4200]  }
0x42: {  	v3 =	vld [tilespmem:s23+$0x4210]  }
0x43: {  	v1 =	vld [tilespmem:s23+$0x4220]  }
0x44: {  	v0 =	vld [tilespmem:s23+$0x4230]  }
0x45: {  	v6 =	vld [tilespmem:s23+$0xC200]  }
0x46: {  	v5 =	vld [tilespmem:s23+$0xC210]  }
0x47: {  	s24 =	simm.s32 $0x200;
	v4 =	vld [tilespmem:s23+$0xC220]  }
.LBB2_4:
0x48: {  	p0 =	sne.s32 s24, $0xFE00;
	v7 =	vld [tilespmem:s23+$0xC230];
	_ =	sdelay $0x1  }
0x49: {  	s25 =	sshra.s32 s24, $0x2;
	v8 =	vsub.f32 v2, v6  }
0x4a: {  	v2 =	vld [tilespmem:s25+$0x4200];
	v9 =	vsub.f32 v3, v5  }
0x4b: {  	v3 =	vld [tilespmem:s25+$0x4210];
	v6 =	vadd.f32 v8, v6;
	v8 =	vsub.f32 v1, v4  }
.Ltmp1:
0x4c: {  	v1 =	vld [tilespmem:s25+$0x4220];
	v5 =	vadd.f32 v9, v5;
	v9 =	vsub.f32 v0, v7;
	(pc) =	sbr.rel @p0 .LBB2_4-.Ltmp1, $4  }
0x4d: {  	v0 =	vld [tilespmem:s25+$0x4230];
	[tilespmem:s23+$0xC200] =	vst v6;
	v4 =	vadd.f32 v8, v4  }
0x4e: {  	v6 =	vld [tilespmem:s25+$0xC200];
	[tilespmem:s23+$0xC210] =	vst v5;
	v7 =	vadd.f32 v9, v7  }
0x4f: {  	v5 =	vld [tilespmem:s25+$0xC210];
	[tilespmem:s23+$0xC220] =	vst v4  }
0x50: {  	s24 =	sadd.s32 $0x200, s24;
	v4 =	vld [tilespmem:s25+$0xC220];
	[tilespmem:s23+$0xC230] =	vst v7;
	s23 =	smov.u32 s25  }
0x51: {  	v7 =	vld [tilespmem:s23+$0xC230];
	_ =	sdelay $0x1  }
0x52: {  	v2 =	vsub.f32 v2, v6  }
0x53: {  	v3 =	vsub.f32 v3, v5  }
0x54: {  	v2 =	vadd.f32 v2, v6;
	v1 =	vsub.f32 v1, v4  }
0x55: {  	v3 =	vadd.f32 v3, v5;
	v0 =	vsub.f32 v0, v7  }
0x56: {  	[tilespmem:s23+$0xC200] =	vst v2;
	v1 =	vadd.f32 v1, v4  }
0x57: {  	[tilespmem:s23+$0xC210] =	vst v3;
	v0 =	vadd.f32 v0, v7  }
0x58: {  	[tilespmem:s23+$0xC220] =	vst v1  }
0x59: {  	[tilespmem:s23+$0xC230] =	vst v0  }
0x5a: {  	[tilespmem:s16], [sflag:$0x2] =	stream.indirect.gather [hbm4b:s1+s12], $0x80, s20, s12, $0xb8;
	[tilespmem:$0x18480] =	vst v63  }
0x5b: {  	_ =	swait.ge [sflag:s17], $0x4000  }
0x5c: {  	[sflag:s17] =	ssyncset.done $0x0  }
0x5d: {  	s23 =	simm.s32 $0x0;
	[sflag:s17] =	ssyncadd.s32 $0xFFFFC000  }
0x5e: {  	v2 =	vld [tilespmem:s23+$0x200]  }
0x5f: {  	v3 =	vld [tilespmem:s23+$0x210]  }
0x60: {  	v1 =	vld [tilespmem:s23+$0x220]  }
0x61: {  	v0 =	vld [tilespmem:s23+$0x230]  }
0x62: {  	v6 =	vld [tilespmem:s23+$0x10200]  }
0x63: {  	v5 =	vld [tilespmem:s23+$0x10210]  }
0x64: {  	s24 =	simm.s32 $0x200;
	v4 =	vld [tilespmem:s23+$0x10220]  }
.LBB2_6:
0x65: {  	p0 =	sne.s32 s24, $0xFE00;
	v7 =	vld [tilespmem:s23+$0x10230];
	_ =	sdelay $0x1  }
0x66: {  	s25 =	sshra.s32 s24, $0x2;
	v8 =	vsub.f32 v2, v6  }
0x67: {  	v2 =	vld [tilespmem:s25+$0x200];
	v9 =	vsub.f32 v3, v5  }
0x68: {  	v3 =	vld [tilespmem:s25+$0x210];
	v6 =	vadd.f32 v8, v6;
	v8 =	vsub.f32 v1, v4  }
.Ltmp2:
0x69: {  	v1 =	vld [tilespmem:s25+$0x220];
	v5 =	vadd.f32 v9, v5;
	v9 =	vsub.f32 v0, v7;
	(pc) =	sbr.rel @p0 .LBB2_6-.Ltmp2, $4  }
0x6a: {  	v0 =	vld [tilespmem:s25+$0x230];
	[tilespmem:s23+$0x10200] =	vst v6;
	v4 =	vadd.f32 v8, v4  }
0x6b: {  	v6 =	vld [tilespmem:s25+$0x10200];
	[tilespmem:s23+$0x10210] =	vst v5;
	v7 =	vadd.f32 v9, v7  }
0x6c: {  	v5 =	vld [tilespmem:s25+$0x10210];
	[tilespmem:s23+$0x10220] =	vst v4  }
0x6d: {  	s24 =	sadd.s32 $0x200, s24;
	v4 =	vld [tilespmem:s25+$0x10220];
	[tilespmem:s23+$0x10230] =	vst v7;
	s23 =	smov.u32 s25  }
0x6e: {  	v7 =	vld [tilespmem:s23+$0x10230];
	_ =	sdelay $0x1  }
0x6f: {  	v2 =	vsub.f32 v2, v6  }
0x70: {  	v3 =	vsub.f32 v3, v5  }
0x71: {  	v2 =	vadd.f32 v2, v6;
	v1 =	vsub.f32 v1, v4  }
0x72: {  	v3 =	vadd.f32 v3, v5;
	v0 =	vsub.f32 v0, v7  }
0x73: {  	[tilespmem:s23+$0x10200] =	vst v2;
	v1 =	vadd.f32 v1, v4  }
0x74: {  	[tilespmem:s23+$0x10210] =	vst v3;
	v0 =	vadd.f32 v0, v7  }
0x75: {  	[tilespmem:s23+$0x10220] =	vst v1  }
0x76: {  	[tilespmem:s23+$0x10230] =	vst v0  }
0x77: {  	_ =	swait.ge [sflag:s19], $0x4000  }
0x78: {  	[sflag:s19] =	ssyncset.done $0x0  }
0x79: {  	s23 =	simm.s32 $0x0;
	[sflag:s19] =	ssyncadd.s32 $0xFFFFC000  }
0x7a: {  	v2 =	vld [tilespmem:s23+$0x4200]  }
0x7b: {  	v3 =	vld [tilespmem:s23+$0x4210]  }
0x7c: {  	v1 =	vld [tilespmem:s23+$0x4220]  }
0x7d: {  	v0 =	vld [tilespmem:s23+$0x4230]  }
0x7e: {  	v6 =	vld [tilespmem:s23+$0x14200]  }
0x7f: {  	v5 =	vld [tilespmem:s23+$0x14210]  }
0x80: {  	s24 =	simm.s32 $0x200;
	v4 =	vld [tilespmem:s23+$0x14220]  }
.LBB2_8:
0x81: {  	p0 =	sne.s32 s24, $0xFE00;
	v7 =	vld [tilespmem:s23+$0x14230];
	_ =	sdelay $0x1  }
0x82: {  	s25 =	sshra.s32 s24, $0x2;
	v8 =	vsub.f32 v2, v6  }
0x83: {  	v2 =	vld [tilespmem:s25+$0x4200];
	v9 =	vsub.f32 v3, v5  }
0x84: {  	v3 =	vld [tilespmem:s25+$0x4210];
	v6 =	vadd.f32 v8, v6;
	v8 =	vsub.f32 v1, v4  }
.Ltmp3:
0x85: {  	v1 =	vld [tilespmem:s25+$0x4220];
	v5 =	vadd.f32 v9, v5;
	v9 =	vsub.f32 v0, v7;
	(pc) =	sbr.rel @p0 .LBB2_8-.Ltmp3, $4  }
0x86: {  	v0 =	vld [tilespmem:s25+$0x4230];
	[tilespmem:s23+$0x14200] =	vst v6;
	v4 =	vadd.f32 v8, v4  }
0x87: {  	v6 =	vld [tilespmem:s25+$0x14200];
	[tilespmem:s23+$0x14210] =	vst v5;
	v7 =	vadd.f32 v9, v7  }
0x88: {  	v5 =	vld [tilespmem:s25+$0x14210];
	[tilespmem:s23+$0x14220] =	vst v4  }
0x89: {  	s24 =	sadd.s32 $0x200, s24;
	v4 =	vld [tilespmem:s25+$0x14220];
	[tilespmem:s23+$0x14230] =	vst v7;
	s23 =	smov.u32 s25  }
0x8a: {  	v7 =	vld [tilespmem:s23+$0x14230];
	_ =	sdelay $0x1  }
0x8b: {  	v2 =	vsub.f32 v2, v6  }
0x8c: {  	v3 =	vsub.f32 v3, v5  }
0x8d: {  	v2 =	vadd.f32 v2, v6;
	v1 =	vsub.f32 v1, v4  }
0x8e: {  	v3 =	vadd.f32 v3, v5;
	v0 =	vsub.f32 v0, v7  }
0x8f: {  	[tilespmem:s23+$0x14200] =	vst v2;
	v1 =	vadd.f32 v1, v4  }
0x90: {  	[tilespmem:s23+$0x14210] =	vst v3;
	v0 =	vadd.f32 v0, v7  }
0x91: {  	[tilespmem:s23+$0x14220] =	vst v1  }
0x92: {  	[tilespmem:s23+$0x14230] =	vst v0  }
0x93: {  	[hbm4b:s7+s3] =	stream.linear.scatter [tilespmem:s11], [sflag:$0x3], $0x10000, $0x38;
	[tilespmem:$0x18480] =	vst v63  }
0x94: {  	_ =	swait.ge [sflag:s10], $0x10000  }
0x95: {  	[sflag:s10] =	ssyncset.done $0x0  }
0x96: {  	[sflag:s10] =	ssyncadd.s32 $0xFFFF0000  }
0x97: {  	v32 =	vld [tilespmem:$0x18200];
	_ =	sdelay $0x1  }
0x98: {  	v33 =	vld [tilespmem:$0x18210];
	_ =	sdelay $0x1  }
0x99: {  	v34 =	vld [tilespmem:$0x18220]  }
0x9a: {  	v0 =	vadd.f32 $0.0e+00, v32  }
0x9b: {  	v35 =	vld [tilespmem:$0x18230]  }
0x9c: {  	v0 =	vadd.f32 v33, v0  }
0x9d: {  	v36 =	vld [tilespmem:$0x18240]  }
0x9e: {  	v0 =	vadd.f32 v34, v0  }
0x9f: {  	v37 =	vld [tilespmem:$0x18250]  }
0xa0: {  	v0 =	vadd.f32 v35, v0  }
0xa1: {  	v38 =	vld [tilespmem:$0x18260]  }
0xa2: {  	v0 =	vadd.f32 v36, v0  }
0xa3: {  	v39 =	vld [tilespmem:$0x18270]  }
0xa4: {  	v0 =	vadd.f32 v37, v0  }
0xa5: {  	v40 =	vld [tilespmem:$0x18280]  }
0xa6: {  	v0 =	vadd.f32 v38, v0  }
0xa7: {  	v41 =	vld [tilespmem:$0x18290]  }
0xa8: {  	v0 =	vadd.f32 v39, v0  }
0xa9: {  	v42 =	vld [tilespmem:$0x182A0]  }
0xaa: {  	v0 =	vadd.f32 v40, v0  }
0xab: {  	v43 =	vld [tilespmem:$0x182B0]  }
0xac: {  	v0 =	vadd.f32 v41, v0  }
0xad: {  	v44 =	vld [tilespmem:$0x182C0]  }
0xae: {  	v0 =	vadd.f32 v42, v0  }
0xaf: {  	v45 =	vld [tilespmem:$0x182D0]  }
0xb0: {  	v0 =	vadd.f32 v43, v0  }
0xb1: {  	v46 =	vld [tilespmem:$0x182E0]  }
0xb2: {  	v0 =	vadd.f32 v44, v0  }
0xb3: {  	v47 =	vld [tilespmem:$0x182F0]  }
0xb4: {  	v0 =	vadd.f32 v45, v0  }
0xb5: {  	v48 =	vld [tilespmem:$0x18300]  }
0xb6: {  	v0 =	vadd.f32 v46, v0  }
0xb7: {  	v49 =	vld [tilespmem:$0x18310]  }
0xb8: {  	v0 =	vadd.f32 v47, v0  }
0xb9: {  	v50 =	vld [tilespmem:$0x18320]  }
0xba: {  	v0 =	vadd.f32 v48, v0  }
0xbb: {  	v51 =	vld [tilespmem:$0x18330]  }
0xbc: {  	v0 =	vadd.f32 v49, v0  }
0xbd: {  	v52 =	vld [tilespmem:$0x18340]  }
0xbe: {  	v0 =	vadd.f32 v50, v0  }
0xbf: {  	v53 =	vld [tilespmem:$0x18350]  }
0xc0: {  	v0 =	vadd.f32 v51, v0  }
0xc1: {  	v54 =	vld [tilespmem:$0x18360]  }
0xc2: {  	v0 =	vadd.f32 v52, v0  }
0xc3: {  	v55 =	vld [tilespmem:$0x18370]  }
0xc4: {  	v0 =	vadd.f32 v53, v0  }
0xc5: {  	v56 =	vld [tilespmem:$0x18380]  }
0xc6: {  	v0 =	vadd.f32 v54, v0  }
0xc7: {  	v57 =	vld [tilespmem:$0x18390]  }
0xc8: {  	v0 =	vadd.f32 v55, v0  }
0xc9: {  	v58 =	vld [tilespmem:$0x183A0]  }
0xca: {  	v0 =	vadd.f32 v56, v0  }
0xcb: {  	v59 =	vld [tilespmem:$0x183B0]  }
0xcc: {  	v0 =	vadd.f32 v57, v0  }
0xcd: {  	v60 =	vld [tilespmem:$0x183C0]  }
0xce: {  	v0 =	vadd.f32 v58, v0  }
0xcf: {  	v61 =	vld [tilespmem:$0x183D0]  }
0xd0: {  	v0 =	vadd.f32 v59, v0  }
0xd1: {  	v62 =	vld [tilespmem:$0x183E0]  }
0xd2: {  	v0 =	vadd.f32 v60, v0  }
0xd3: {  	v63 =	vld [tilespmem:$0x183F0]  }
0xd4: {  	v0 =	vadd.f32 v61, v0;
	_ =	sdelay $0x1  }
0xd5: {  	v0 =	vadd.f32 v62, v0;
	_ =	sdelay $0x1  }
0xd6: {  	s22 =	sadd.s32 $0x1, s22;
	v0 =	vadd.f32 v63, v0  }
0xd7: {  	p0 =	sne.s32 s22, s9  }
.Ltmp4:
0xd8: {  	[tilespmem:$0x18400] =	vst v0;
	(pc) =	sbr.rel @p0 .LBB2_1-.Ltmp4, $4  }
0xd9: {  	[hbm4b:s8+s3] =	stream.linear.scatter [tilespmem:s21], [sflag:$0x3], $0x80, $0x38;
	[tilespmem:$0x18480] =	vst v63  }
0xda: {  	_ =	swait.ge [sflag:s10], $0x80  }
0xdb: {  	[sflag:s10] =	ssyncset.done $0x0  }
0xdc: {  	[sflag:s10] =	ssyncadd.s32 $0xFFFFFF80  }
0xdd: {  	_ =	sfence.sel $0x180000  }
0xde: {  	[bflag:$0x0] =	sbarrier.arrive $0xFFFF  }
0xdf: {  	p0 =	sne.s32 s0, $0x0;
	_ =	strace $0x90000047  }
0xe0: {  	s0 =	sadd.s32 @!p0 $0x100000, s2;
	[bflag:$0x2] =	sbarrier.arrive $0xFFFF  }
0xe1: {  	[sflag:s0] =	ssyncadd.tile.s32 @!p0 $0x1;
	_ =	shalt  }
.Lfunc_end2:
_tile_overlayer_lowered:
.L_overlay_start_2:
0xe2: {  	(tag) =	ssettag $0x2  }
0xe3: {  	s0 =	rddreg [dreg:$0x0];
	s2 =	stileid.u32  }
0xe4: {  	s1 =	rddreg [dreg:$0x1];
	p0 =	sne.s32 s2, $0x0  }
0xe5: {  	s3 =	rddreg [dreg:$0x2];
	[bflag:$0x3] =	sbarrier.arrive $0xFFFF;
	s2 =	simm.s32 @!p0 $0x1C03  }
0xe6: {  	[timem:s3], [sflag:s2] =	dma.local @!p0 [hbm:s0], s1  }
0xe7: {  	s0 =	simm.s32 @!p0 $0x3  }
0xe8: {  	_ =	swait.ge @!p0 [sflag:s0], s1  }
0xe9: {  	s1 =	ssub.s32 @!p0 $0x0, s1;
	[sflag:s0] =	ssyncset.done @!p0 $0x0  }
0xea: {  	[sflag:s0] =	ssyncadd.s32 @!p0 s1  }
0xeb: {  	[bflag:$0x3] =	sbarrier.arrive $0xFFFF  }
0xec: {  	_ =	shalt  }

</sc_bundles>
